<compile_context>
chip_gen: v7x
topology: tpu7x:2x2x1
jax: 0.10.2.dev20260603
libtpu: 0.0.44.dev20260713+nightly
codegen_flags: <defaults>
</compile_context>

<pallas_src>
import functools

import jax
import jax.numpy as jnp
from jax import lax
from jax.experimental import pallas as pl
from jax.experimental.pallas import tpu as pltpu
from jax.experimental.pallas import tpu_sc as plsc

N_STIMULI = 1000000
N_DIM = 32
BATCH = 16384
HIST = 50

NUM_WORKERS = 32
TRIALS_PER_WORKER = BATCH // NUM_WORKERS
CHUNK_T = 16
NUM_CHUNKS = TRIALS_PER_WORKER // CHUNK_T
NUM_PAIRS = NUM_CHUNKS // 2
ROWS = CHUNK_T * HIST
SUB = 80
NSUB = ROWS // SUB

_mesh = plsc.VectorSubcoreMesh(
    core_axis_name="c", subcore_axis_name="s", num_cores=2, num_subcores=16
)


@functools.partial(
    pl.kernel,
    out_type=jax.ShapeDtypeStruct((BATCH, N_DIM, HIST), jnp.float32),
    mesh=_mesh,
    scratch_types=[
        pltpu.VMEM((ROWS,), jnp.int32),
        pltpu.VMEM((ROWS,), jnp.int32),
        pltpu.VMEM((ROWS, N_DIM), jnp.float32),
        pltpu.VMEM((ROWS, N_DIM), jnp.float32),
        pltpu.VMEM((CHUNK_T, N_DIM, HIST), jnp.float32),
        pltpu.VMEM((CHUNK_T, N_DIM, HIST), jnp.float32),
        pltpu.SemaphoreType.DMA,
        pltpu.SemaphoreType.DMA,
        pltpu.SemaphoreType.DMA,
        pltpu.SemaphoreType.DMA,
    ],
    compiler_params=pltpu.CompilerParams(
        needs_layout_passes=False, use_tc_tiling_on_sc=False
    ),
)
def _sc_embed(z_hbm, idx_hbm, out_hbm, idx0, idx1, buf0, buf1, ob0, ob1,
              semg0, semg1, semo0, semo1):
    wid = lax.axis_index("s") * 2 + lax.axis_index("c")
    tbase = wid * TRIALS_PER_WORKER
    iota = lax.iota(jnp.int32, 16)

    def fire_gathers(idx_v, buf, sem):
        for k in range(NSUB):
            pltpu.async_copy(
                z_hbm.at[idx_v.at[pl.ds(k * SUB, SUB)]],
                buf.at[pl.ds(k * SUB, SUB)],
                sem,
            )

    def drain_gathers(idx_v, buf, sem):
        for k in range(NSUB):
            pltpu.make_async_copy(
                z_hbm.at[idx_v.at[pl.ds(k * SUB, SUB)]],
                buf.at[pl.ds(k * SUB, SUB)],
                sem,
            ).wait()

    def transpose(buf, ob):
        def t_body(t, carry):
            row0 = t * HIST
            for d in range(N_DIM):
                dcol = jnp.full((16,), d, jnp.int32)
                for h0 in (0, 16, 32, 34):
                    rows = row0 + h0 + iota
                    v = plsc.load_gather(buf, [rows, dcol])
                    ob[t, d, pl.ds(h0, 16)] = v
            return carry

        lax.fori_loop(0, CHUNK_T, t_body, 0)

    pltpu.sync_copy(idx_hbm.at[pl.ds(tbase * HIST, ROWS)], idx0)
    fire_gathers(idx0, buf0, semg0)

    def body(i, carry):
        b0 = tbase + (2 * i) * CHUNK_T
        b1 = tbase + (2 * i + 1) * CHUNK_T

        pltpu.sync_copy(idx_hbm.at[pl.ds(b1 * HIST, ROWS)], idx1)
        fire_gathers(idx1, buf1, semg1)

        drain_gathers(idx0, buf0, semg0)

        @pl.when(i > 0)
        def _():
            pltpu.make_async_copy(
                ob0, out_hbm.at[pl.ds(b0, CHUNK_T)], semo0
            ).wait()

        pltpu.async_copy(ob0, out_hbm.at[pl.ds(b0, CHUNK_T)], semo0)

        @pl.when(i + 1 < NUM_PAIRS)
        def _():
            b2 = tbase + (2 * i + 2) * CHUNK_T
            pltpu.sync_copy(idx_hbm.at[pl.ds(b2 * HIST, ROWS)], idx0)
            fire_gathers(idx0, buf0, semg0)

        drain_gathers(idx1, buf1, semg1)

        @pl.when(i > 0)
        def _():
            pltpu.make_async_copy(
                ob1, out_hbm.at[pl.ds(b1, CHUNK_T)], semo1
            ).wait()

        pltpu.async_copy(ob1, out_hbm.at[pl.ds(b1, CHUNK_T)], semo1)
        return carry

    lax.fori_loop(0, NUM_PAIRS, body, 0)

    pltpu.make_async_copy(ob0, out_hbm.at[pl.ds(tbase, CHUNK_T)], semo0).wait()
    pltpu.make_async_copy(ob1, out_hbm.at[pl.ds(tbase, CHUNK_T)], semo1).wait()


def kernel(inputs, z):
    return _sc_embed(z, inputs.reshape(-1))

# --- scband reference (transcript-rebuilt; emitter-appended) ---
"""Pipeline reference for scband-embedding-12257836663097 (READ-ONLY COPY).

The authoritative reference and input builder live on the scoring server;
editing this copy changes nothing except your own understanding.
"""

import jax
import jax.numpy as jnp
import numpy as np

N_STIMULI = 1000000
N_DIM = 32
BATCH = 16384
HIST = 50

def setup_inputs(seed: int = 0) -> dict:
    key = jax.random.key(seed)
    k_idx, k_z = jax.random.split(key)
    # stimulus IDs in [0, n_stimuli); module adds 1 internally to skip placeholder row
    inputs = jax.random.randint(k_idx, (BATCH, HIST), 0, N_STIMULI, dtype=jnp.int32)
    # learned embedding coordinates z: [n_stimuli, n_dim]
    z = jax.random.normal(k_z, (N_STIMULI, N_DIM), dtype=jnp.float32)
    return {"inputs": inputs, "z": z}

def reference(inputs, z):
    # stimulus_set = inputs + 1 (placeholder -1 maps to row 0)
    stimulus_set = inputs + 1
    # pad row 0 with zeros for the placeholder stimulus
    z_pad = jnp.concatenate([jnp.zeros((1, z.shape[1]), dtype=z.dtype), z], axis=0)
    n_trial = stimulus_set.shape[0]
    input_length = stimulus_set.shape[1]
    n_dim = z_pad.shape[1]
    flat_idx = jnp.reshape(stimulus_set, (-1,))
    z_set = jnp.take(z_pad, flat_idx, axis=0)
    z_set = jnp.reshape(z_set, (n_trial, input_length, n_dim))
    z_set = jnp.transpose(z_set, (0, 2, 1))
    return z_set

if __name__ == "__main__":
    import jax
    _d = setup_inputs()
    print(jax.jit(kernel)(*tuple(_d.values())))

</pallas_src>

<mosaic_0001>
#map = affine_map<(d0, d1) -> (0, 0)>
#map1 = affine_map<(d0, d1) -> (0)>
#map2 = affine_map<(d0, d1) -> (0, 0, 0)>
module attributes {stable_mosaic.version = 14 : i64} {
  func.func @_sc_embed(%arg0: i32, %arg1: i32, %arg2: memref<1000000x32xf32, #tpu.memory_space<hbm>>, %arg3: memref<819200xi32, #tpu.memory_space<hbm>>, %arg4: memref<16384x32x50xf32, #tpu.memory_space<hbm>>, %arg5: memref<800xi32, #tpu.memory_space<vmem>>, %arg6: memref<800xi32, #tpu.memory_space<vmem>>, %arg7: memref<800x32xf32, #tpu.memory_space<vmem>>, %arg8: memref<800x32xf32, #tpu.memory_space<vmem>>, %arg9: memref<16x32x50xf32, #tpu.memory_space<vmem>>, %arg10: memref<16x32x50xf32, #tpu.memory_space<vmem>>, %arg11: memref<!tpu.dma_semaphore, #tpu.memory_space<semaphore_mem>>, %arg12: memref<!tpu.dma_semaphore, #tpu.memory_space<semaphore_mem>>, %arg13: memref<!tpu.dma_semaphore, #tpu.memory_space<semaphore_mem>>, %arg14: memref<!tpu.dma_semaphore, #tpu.memory_space<semaphore_mem>>) attributes {dimension_semantics = [#tpu.dimension_semantics<core_parallel>, #tpu.dimension_semantics<subcore_parallel>], iteration_bounds = array<i64: 2, 16>, scalar_prefetch = 0 : i64, scratch_operands = 10 : i64, tpu.core_type = #tpu.core_type<sc_vector_subcore>, window_params = [{transform_indices = #map}, {transform_indices = #map1}, {transform_indices = #map2}]} {
    %mul3A = arith.constant 2 : i32
    %mul3A_0 = arith.muli %arg1, %mul3A : i32
    %add3A = arith.addi %mul3A_0, %arg0 : i32
    %mul3A_1 = arith.constant 512 : i32
    %mul3A_2 = arith.muli %add3A, %mul3A_1 : i32
    %iota3A = tpu.iota {dimensions = array<i32: 0>} : vector<16xi32>
    %mul3A_3 = arith.constant 50 : i32
    %mul3A_4 = arith.muli %mul3A_2, %mul3A_3 : i32
    "tpu.region"() ({
      %run_scoped3A = tpu.sem_alloc : memref<!tpu.dma_semaphore, #tpu.memory_space<semaphore_mem>>
      %dma_start3A_100 = tpu.memref_slice %arg3[%mul3A_4] : memref<819200xi32, #tpu.memory_space<hbm>> -> memref<800xi32, #tpu.memory_space<hbm>>
      %dma_start3A_101 = tpu.memref_slice %arg3[%mul3A_4] : memref<819200xi32, #tpu.memory_space<hbm>> -> memref<800xi32, #tpu.memory_space<hbm>>
      tpu.enqueue_dma source(%dma_start3A_101 : memref<800xi32, #tpu.memory_space<hbm>>) target(%arg5 : memref<800xi32, #tpu.memory_space<vmem>>) target_semaphore(%run_scoped3A : memref<!tpu.dma_semaphore, #tpu.memory_space<semaphore_mem>>)
      %dma_wait3A_102 = tpu.memref_slice %arg3[%mul3A_4] : memref<819200xi32, #tpu.memory_space<hbm>> -> memref<800xi32, #tpu.memory_space<hbm>>
      %dma_wait3A_103 = tpu.memref_slice %arg3[%mul3A_4] : memref<819200xi32, #tpu.memory_space<hbm>> -> memref<800xi32, #tpu.memory_space<hbm>>
      tpu.wait_dma2 semaphore(%run_scoped3A : memref<!tpu.dma_semaphore, #tpu.memory_space<semaphore_mem>>) src(%dma_wait3A_103 : memref<800xi32, #tpu.memory_space<hbm>>) dst(%arg5 : memref<800xi32, #tpu.memory_space<vmem>>)
      tpu.yield
    }) : () -> ()
    %dma_start3A = arith.constant 0 : i32
    %dma_start3A_5 = arith.constant 0 : i32
    %dma_start3A_6 = tpu.memref_slice %arg7[%dma_start3A, %dma_start3A_5] : memref<800x32xf32, #tpu.memory_space<vmem>> -> memref<80x32xf32, #tpu.memory_space<vmem>>
    %dma_start3A_7 = arith.constant 0 : i32
    %dma_start3A_8 = tpu.memref_slice %arg5[%dma_start3A_7] : memref<800xi32, #tpu.memory_space<vmem>> -> memref<80xi32, #tpu.memory_space<vmem>>
    %dma_start3A_9 = arith.constant 0 : i32
    %dma_start3A_10 = arith.constant 0 : i32
    %dma_start3A_11 = tpu.memref_slice %arg2[%dma_start3A_9, %dma_start3A_10] : memref<1000000x32xf32, #tpu.memory_space<hbm>> -> memref<1000000x32xf32, #tpu.memory_space<hbm>>
    tpu.enqueue_indirect_dma source(%dma_start3A_11 : memref<1000000x32xf32, #tpu.memory_space<hbm>>) target(%dma_start3A_6 : memref<80x32xf32, #tpu.memory_space<vmem>>) offsets(%dma_start3A_8 : memref<80xi32, #tpu.memory_space<vmem>>) semaphore(%arg11 : memref<!tpu.dma_semaphore, #tpu.memory_space<semaphore_mem>>)
    %dma_start3A_12 = arith.constant 80 : i32
    %dma_start3A_13 = arith.constant 0 : i32
    %dma_start3A_14 = tpu.memref_slice %arg7[%dma_start3A_12, %dma_start3A_13] : memref<800x32xf32, #tpu.memory_space<vmem>> -> memref<80x32xf32, #tpu.memory_space<vmem>>
    %dma_start3A_15 = arith.constant 80 : i32
    %dma_start3A_16 = tpu.memref_slice %arg5[%dma_start3A_15] : memref<800xi32, #tpu.memory_space<vmem>> -> memref<80xi32, #tpu.memory_space<vmem>>
    %dma_start3A_17 = arith.constant 0 : i32
    %dma_start3A_18 = arith.constant 0 : i32
    %dma_start3A_19 = tpu.memref_slice %arg2[%dma_start3A_17, %dma_start3A_18] : memref<1000000x32xf32, #tpu.memory_space<hbm>> -> memref<1000000x32xf32, #tpu.memory_space<hbm>>
    tpu.enqueue_indirect_dma source(%dma_start3A_19 : memref<1000000x32xf32, #tpu.memory_space<hbm>>) target(%dma_start3A_14 : memref<80x32xf32, #tpu.memory_space<vmem>>) offsets(%dma_start3A_16 : memref<80xi32, #tpu.memory_space<vmem>>) semaphore(%arg11 : memref<!tpu.dma_semaphore, #tpu.memory_space<semaphore_mem>>)
    %dma_start3A_20 = arith.constant 160 : i32
    %dma_start3A_21 = arith.constant 0 : i32
    %dma_start3A_22 = tpu.memref_slice %arg7[%dma_start3A_20, %dma_start3A_21] : memref<800x32xf32, #tpu.memory_space<vmem>> -> memref<80x32xf32, #tpu.memory_space<vmem>>
    %dma_start3A_23 = arith.constant 160 : i32
    %dma_start3A_24 = tpu.memref_slice %arg5[%dma_start3A_23] : memref<800xi32, #tpu.memory_space<vmem>> -> memref<80xi32, #tpu.memory_space<vmem>>
    %dma_start3A_25 = arith.constant 0 : i32
    %dma_start3A_26 = arith.constant 0 : i32
    %dma_start3A_27 = tpu.memref_slice %arg2[%dma_start3A_25, %dma_start3A_26] : memref<1000000x32xf32, #tpu.memory_space<hbm>> -> memref<1000000x32xf32, #tpu.memory_space<hbm>>
    tpu.enqueue_indirect_dma source(%dma_start3A_27 : memref<1000000x32xf32, #tpu.memory_space<hbm>>) target(%dma_start3A_22 : memref<80x32xf32, #tpu.memory_space<vmem>>) offsets(%dma_start3A_24 : memref<80xi32, #tpu.memory_space<vmem>>) semaphore(%arg11 : memref<!tpu.dma_semaphore, #tpu.memory_space<semaphore_mem>>)
    %dma_start3A_28 = arith.constant 240 : i32
    %dma_start3A_29 = arith.constant 0 : i32
    %dma_start3A_30 = tpu.memref_slice %arg7[%dma_start3A_28, %dma_start3A_29] : memref<800x32xf32, #tpu.memory_space<vmem>> -> memref<80x32xf32, #tpu.memory_space<vmem>>
    %dma_start3A_31 = arith.constant 240 : i32
    %dma_start3A_32 = tpu.memref_slice %arg5[%dma_start3A_31] : memref<800xi32, #tpu.memory_space<vmem>> -> memref<80xi32, #tpu.memory_space<vmem>>
    %dma_start3A_33 = arith.constant 0 : i32
    %dma_start3A_34 = arith.constant 0 : i32
    %dma_start3A_35 = tpu.memref_slice %arg2[%dma_start3A_33, %dma_start3A_34] : memref<1000000x32xf32, #tpu.memory_space<hbm>> -> memref<1000000x32xf32, #tpu.memory_space<hbm>>
    tpu.enqueue_indirect_dma source(%dma_start3A_35 : memref<1000000x32xf32, #tpu.memory_space<hbm>>) target(%dma_start3A_30 : memref<80x32xf32, #tpu.memory_space<vmem>>) offsets(%dma_start3A_32 : memref<80xi32, #tpu.memory_space<vmem>>) semaphore(%arg11 : memref<!tpu.dma_semaphore, #tpu.memory_space<semaphore_mem>>)
    %dma_start3A_36 = arith.constant 320 : i32
    %dma_start3A_37 = arith.constant 0 : i32
    %dma_start3A_38 = tpu.memref_slice %arg7[%dma_start3A_36, %dma_start3A_37] : memref<800x32xf32, #tpu.memory_space<vmem>> -> memref<80x32xf32, #tpu.memory_space<vmem>>
    %dma_start3A_39 = arith.constant 320 : i32
    %dma_start3A_40 = tpu.memref_slice %arg5[%dma_start3A_39] : memref<800xi32, #tpu.memory_space<vmem>> -> memref<80xi32, #tpu.memory_space<vmem>>
    %dma_start3A_41 = arith.constant 0 : i32
    %dma_start3A_42 = arith.constant 0 : i32
    %dma_start3A_43 = tpu.memref_slice %arg2[%dma_start3A_41, %dma_start3A_42] : memref<1000000x32xf32, #tpu.memory_space<hbm>> -> memref<1000000x32xf32, #tpu.memory_space<hbm>>
    tpu.enqueue_indirect_dma source(%dma_start3A_43 : memref<1000000x32xf32, #tpu.memory_space<hbm>>) target(%dma_start3A_38 : memref<80x32xf32, #tpu.memory_space<vmem>>) offsets(%dma_start3A_40 : memref<80xi32, #tpu.memory_space<vmem>>) semaphore(%arg11 : memref<!tpu.dma_semaphore, #tpu.memory_space<semaphore_mem>>)
    %dma_start3A_44 = arith.constant 400 : i32
    %dma_start3A_45 = arith.constant 0 : i32
    %dma_start3A_46 = tpu.memref_slice %arg7[%dma_start3A_44, %dma_start3A_45] : memref<800x32xf32, #tpu.memory_space<vmem>> -> memref<80x32xf32, #tpu.memory_space<vmem>>
    %dma_start3A_47 = arith.constant 400 : i32
    %dma_start3A_48 = tpu.memref_slice %arg5[%dma_start3A_47] : memref<800xi32, #tpu.memory_space<vmem>> -> memref<80xi32, #tpu.memory_space<vmem>>
    %dma_start3A_49 = arith.constant 0 : i32
    %dma_start3A_50 = arith.constant 0 : i32
    %dma_start3A_51 = tpu.memref_slice %arg2[%dma_start3A_49, %dma_start3A_50] : memref<1000000x32xf32, #tpu.memory_space<hbm>> -> memref<1000000x32xf32, #tpu.memory_space<hbm>>
    tpu.enqueue_indirect_dma source(%dma_start3A_51 : memref<1000000x32xf32, #tpu.memory_space<hbm>>) target(%dma_start3A_46 : memref<80x32xf32, #tpu.memory_space<vmem>>) offsets(%dma_start3A_48 : memref<80xi32, #tpu.memory_space<vmem>>) semaphore(%arg11 : memref<!tpu.dma_semaphore, #tpu.memory_space<semaphore_mem>>)
    %dma_start3A_52 = arith.constant 480 : i32
    %dma_start3A_53 = arith.constant 0 : i32
    %dma_start3A_54 = tpu.memref_slice %arg7[%dma_start3A_52, %dma_start3A_53] : memref<800x32xf32, #tpu.memory_space<vmem>> -> memref<80x32xf32, #tpu.memory_space<vmem>>
    %dma_start3A_55 = arith.constant 480 : i32
    %dma_start3A_56 = tpu.memref_slice %arg5[%dma_start3A_55] : memref<800xi32, #tpu.memory_space<vmem>> -> memref<80xi32, #tpu.memory_space<vmem>>
    %dma_start3A_57 = arith.constant 0 : i32
    %dma_start3A_58 = arith.constant 0 : i32
    %dma_start3A_59 = tpu.memref_slice %arg2[%dma_start3A_57, %dma_start3A_58] : memref<1000000x32xf32, #tpu.memory_space<hbm>> -> memref<1000000x32xf32, #tpu.memory_space<hbm>>
    tpu.enqueue_indirect_dma source(%dma_start3A_59 : memref<1000000x32xf32, #tpu.memory_space<hbm>>) target(%dma_start3A_54 : memref<80x32xf32, #tpu.memory_space<vmem>>) offsets(%dma_start3A_56 : memref<80xi32, #tpu.memory_space<vmem>>) semaphore(%arg11 : memref<!tpu.dma_semaphore, #tpu.memory_space<semaphore_mem>>)
    %dma_start3A_60 = arith.constant 560 : i32
    %dma_start3A_61 = arith.constant 0 : i32
    %dma_start3A_62 = tpu.memref_slice %arg7[%dma_start3A_60, %dma_start3A_61] : memref<800x32xf32, #tpu.memory_space<vmem>> -> memref<80x32xf32, #tpu.memory_space<vmem>>
    %dma_start3A_63 = arith.constant 560 : i32
    %dma_start3A_64 = tpu.memref_slice %arg5[%dma_start3A_63] : memref<800xi32, #tpu.memory_space<vmem>> -> memref<80xi32, #tpu.memory_space<vmem>>
    %dma_start3A_65 = arith.constant 0 : i32
    %dma_start3A_66 = arith.constant 0 : i32
    %dma_start3A_67 = tpu.memref_slice %arg2[%dma_start3A_65, %dma_start3A_66] : memref<1000000x32xf32, #tpu.memory_space<hbm>> -> memref<1000000x32xf32, #tpu.memory_space<hbm>>
    tpu.enqueue_indirect_dma source(%dma_start3A_67 : memref<1000000x32xf32, #tpu.memory_space<hbm>>) target(%dma_start3A_62 : memref<80x32xf32, #tpu.memory_space<vmem>>) offsets(%dma_start3A_64 : memref<80xi32, #tpu.memory_space<vmem>>) semaphore(%arg11 : memref<!tpu.dma_semaphore, #tpu.memory_space<semaphore_mem>>)
    %dma_start3A_68 = arith.constant 640 : i32
    %dma_start3A_69 = arith.constant 0 : i32
    %dma_start3A_70 = tpu.memref_slice %arg7[%dma_start3A_68, %dma_start3A_69] : memref<800x32xf32, #tpu.memory_space<vmem>> -> memref<80x32xf32, #tpu.memory_space<vmem>>
    %dma_start3A_71 = arith.constant 640 : i32
    %dma_start3A_72 = tpu.memref_slice %arg5[%dma_start3A_71] : memref<800xi32, #tpu.memory_space<vmem>> -> memref<80xi32, #tpu.memory_space<vmem>>
    %dma_start3A_73 = arith.constant 0 : i32
    %dma_start3A_74 = arith.constant 0 : i32
    %dma_start3A_75 = tpu.memref_slice %arg2[%dma_start3A_73, %dma_start3A_74] : memref<1000000x32xf32, #tpu.memory_space<hbm>> -> memref<1000000x32xf32, #tpu.memory_space<hbm>>
    tpu.enqueue_indirect_dma source(%dma_start3A_75 : memref<1000000x32xf32, #tpu.memory_space<hbm>>) target(%dma_start3A_70 : memref<80x32xf32, #tpu.memory_space<vmem>>) offsets(%dma_start3A_72 : memref<80xi32, #tpu.memory_space<vmem>>) semaphore(%arg11 : memref<!tpu.dma_semaphore, #tpu.memory_space<semaphore_mem>>)
    %dma_start3A_76 = arith.constant 720 : i32
    %dma_start3A_77 = arith.constant 0 : i32
    %dma_start3A_78 = tpu.memref_slice %arg7[%dma_start3A_76, %dma_start3A_77] : memref<800x32xf32, #tpu.memory_space<vmem>> -> memref<80x32xf32, #tpu.memory_space<vmem>>
    %dma_start3A_79 = arith.constant 720 : i32
    %dma_start3A_80 = tpu.memref_slice %arg5[%dma_start3A_79] : memref<800xi32, #tpu.memory_space<vmem>> -> memref<80xi32, #tpu.memory_space<vmem>>
    %dma_start3A_81 = arith.constant 0 : i32
    %dma_start3A_82 = arith.constant 0 : i32
    %dma_start3A_83 = tpu.memref_slice %arg2[%dma_start3A_81, %dma_start3A_82] : memref<1000000x32xf32, #tpu.memory_space<hbm>> -> memref<1000000x32xf32, #tpu.memory_space<hbm>>
    tpu.enqueue_indirect_dma source(%dma_start3A_83 : memref<1000000x32xf32, #tpu.memory_space<hbm>>) target(%dma_start3A_78 : memref<80x32xf32, #tpu.memory_space<vmem>>) offsets(%dma_start3A_80 : memref<80xi32, #tpu.memory_space<vmem>>) semaphore(%arg11 : memref<!tpu.dma_semaphore, #tpu.memory_space<semaphore_mem>>)
    %scan3A = arith.constant 0 : i32
    %scan3A_84 = arith.constant 0 : i32
    %scan3A_85 = arith.constant 16 : i32
    %scan3A_86 = arith.addi %scan3A_84, %scan3A_85 : i32
    %scan3A_87 = arith.constant 1 : i32
    scf.for %scan3A_100 = %scan3A_84 to %scan3A_86 step %scan3A_87  : i32 {
      %mul3A_101 = arith.constant 2 : i32
      %mul3A_102 = arith.muli %mul3A_101, %scan3A_100 : i32
      %mul3A_103 = arith.constant 16 : i32
      %mul3A_104 = arith.muli %mul3A_102, %mul3A_103 : i32
      %add3A_105 = arith.addi %mul3A_2, %mul3A_104 : i32
      %mul3A_106 = arith.constant 2 : i32
      %mul3A_107 = arith.muli %mul3A_106, %scan3A_100 : i32
      %add3A_108 = arith.constant 1 : i32
      %add3A_109 = arith.addi %mul3A_107, %add3A_108 : i32
      %mul3A_110 = arith.constant 16 : i32
      %mul3A_111 = arith.muli %add3A_109, %mul3A_110 : i32
      %add3A_112 = arith.addi %mul3A_2, %mul3A_111 : i32
      %mul3A_113 = arith.constant 50 : i32
      %mul3A_114 = arith.muli %add3A_112, %mul3A_113 : i32
      "tpu.region"() ({
        %run_scoped3A = tpu.sem_alloc : memref<!tpu.dma_semaphore, #tpu.memory_space<semaphore_mem>>
        %dma_start3A_380 = tpu.memref_slice %arg3[%mul3A_114] : memref<819200xi32, #tpu.memory_space<hbm>> -> memref<800xi32, #tpu.memory_space<hbm>>
        %dma_start3A_381 = tpu.memref_slice %arg3[%mul3A_114] : memref<819200xi32, #tpu.memory_space<hbm>> -> memref<800xi32, #tpu.memory_space<hbm>>
        tpu.enqueue_dma source(%dma_start3A_381 : memref<800xi32, #tpu.memory_space<hbm>>) target(%arg6 : memref<800xi32, #tpu.memory_space<vmem>>) target_semaphore(%run_scoped3A : memref<!tpu.dma_semaphore, #tpu.memory_space<semaphore_mem>>)
        %dma_wait3A_382 = tpu.memref_slice %arg3[%mul3A_114] : memref<819200xi32, #tpu.memory_space<hbm>> -> memref<800xi32, #tpu.memory_space<hbm>>
        %dma_wait3A_383 = tpu.memref_slice %arg3[%mul3A_114] : memref<819200xi32, #tpu.memory_space<hbm>> -> memref<800xi32, #tpu.memory_space<hbm>>
        tpu.wait_dma2 semaphore(%run_scoped3A : memref<!tpu.dma_semaphore, #tpu.memory_space<semaphore_mem>>) src(%dma_wait3A_383 : memref<800xi32, #tpu.memory_space<hbm>>) dst(%arg6 : memref<800xi32, #tpu.memory_space<vmem>>)
        tpu.yield
      }) : () -> ()
      %dma_start3A_115 = arith.constant 0 : i32
      %dma_start3A_116 = arith.constant 0 : i32
      %dma_start3A_117 = tpu.memref_slice %arg8[%dma_start3A_115, %dma_start3A_116] : memref<800x32xf32, #tpu.memory_space<vmem>> -> memref<80x32xf32, #tpu.memory_space<vmem>>
      %dma_start3A_118 = arith.constant 0 : i32
      %dma_start3A_119 = tpu.memref_slice %arg6[%dma_start3A_118] : memref<800xi32, #tpu.memory_space<vmem>> -> memref<80xi32, #tpu.memory_space<vmem>>
      %dma_start3A_120 = arith.constant 0 : i32
      %dma_start3A_121 = arith.constant 0 : i32
      %dma_start3A_122 = tpu.memref_slice %arg2[%dma_start3A_120, %dma_start3A_121] : memref<1000000x32xf32, #tpu.memory_space<hbm>> -> memref<1000000x32xf32, #tpu.memory_space<hbm>>
      tpu.enqueue_indirect_dma source(%dma_start3A_122 : memref<1000000x32xf32, #tpu.memory_space<hbm>>) target(%dma_start3A_117 : memref<80x32xf32, #tpu.memory_space<vmem>>) offsets(%dma_start3A_119 : memref<80xi32, #tpu.memory_space<vmem>>) semaphore(%arg12 : memref<!tpu.dma_semaphore, #tpu.memory_space<semaphore_mem>>)
      %dma_start3A_123 = arith.constant 80 : i32
      %dma_start3A_124 = arith.constant 0 : i32
      %dma_start3A_125 = tpu.memref_slice %arg8[%dma_start3A_123, %dma_start3A_124] : memref<800x32xf32, #tpu.memory_space<vmem>> -> memref<80x32xf32, #tpu.memory_space<vmem>>
      %dma_start3A_126 = arith.constant 80 : i32
      %dma_start3A_127 = tpu.memref_slice %arg6[%dma_start3A_126] : memref<800xi32, #tpu.memory_space<vmem>> -> memref<80xi32, #tpu.memory_space<vmem>>
      %dma_start3A_128 = arith.constant 0 : i32
      %dma_start3A_129 = arith.constant 0 : i32
      %dma_start3A_130 = tpu.memref_slice %arg2[%dma_start3A_128, %dma_start3A_129] : memref<1000000x32xf32, #tpu.memory_space<hbm>> -> memref<1000000x32xf32, #tpu.memory_space<hbm>>
      tpu.enqueue_indirect_dma source(%dma_start3A_130 : memref<1000000x32xf32, #tpu.memory_space<hbm>>) target(%dma_start3A_125 : memref<80x32xf32, #tpu.memory_space<vmem>>) offsets(%dma_start3A_127 : memref<80xi32, #tpu.memory_space<vmem>>) semaphore(%arg12 : memref<!tpu.dma_semaphore, #tpu.memory_space<semaphore_mem>>)
      %dma_start3A_131 = arith.constant 160 : i32
      %dma_start3A_132 = arith.constant 0 : i32
      %dma_start3A_133 = tpu.memref_slice %arg8[%dma_start3A_131, %dma_start3A_132] : memref<800x32xf32, #tpu.memory_space<vmem>> -> memref<80x32xf32, #tpu.memory_space<vmem>>
      %dma_start3A_134 = arith.constant 160 : i32
      %dma_start3A_135 = tpu.memref_slice %arg6[%dma_start3A_134] : memref<800xi32, #tpu.memory_space<vmem>> -> memref<80xi32, #tpu.memory_space<vmem>>
      %dma_start3A_136 = arith.constant 0 : i32
      %dma_start3A_137 = arith.constant 0 : i32
      %dma_start3A_138 = tpu.memref_slice %arg2[%dma_start3A_136, %dma_start3A_137] : memref<1000000x32xf32, #tpu.memory_space<hbm>> -> memref<1000000x32xf32, #tpu.memory_space<hbm>>
      tpu.enqueue_indirect_dma source(%dma_start3A_138 : memref<1000000x32xf32, #tpu.memory_space<hbm>>) target(%dma_start3A_133 : memref<80x32xf32, #tpu.memory_space<vmem>>) offsets(%dma_start3A_135 : memref<80xi32, #tpu.memory_space<vmem>>) semaphore(%arg12 : memref<!tpu.dma_semaphore, #tpu.memory_space<semaphore_mem>>)
      %dma_start3A_139 = arith.constant 240 : i32
      %dma_start3A_140 = arith.constant 0 : i32
      %dma_start3A_141 = tpu.memref_slice %arg8[%dma_start3A_139, %dma_start3A_140] : memref<800x32xf32, #tpu.memory_space<vmem>> -> memref<80x32xf32, #tpu.memory_space<vmem>>
      %dma_start3A_142 = arith.constant 240 : i32
      %dma_start3A_143 = tpu.memref_slice %arg6[%dma_start3A_142] : memref<800xi32, #tpu.memory_space<vmem>> -> memref<80xi32, #tpu.memory_space<vmem>>
      %dma_start3A_144 = arith.constant 0 : i32
      %dma_start3A_145 = arith.constant 0 : i32
      %dma_start3A_146 = tpu.memref_slice %arg2[%dma_start3A_144, %dma_start3A_145] : memref<1000000x32xf32, #tpu.memory_space<hbm>> -> memref<1000000x32xf32, #tpu.memory_space<hbm>>
      tpu.enqueue_indirect_dma source(%dma_start3A_146 : memref<1000000x32xf32, #tpu.memory_space<hbm>>) target(%dma_start3A_141 : memref<80x32xf32, #tpu.memory_space<vmem>>) offsets(%dma_start3A_143 : memref<80xi32, #tpu.memory_space<vmem>>) semaphore(%arg12 : memref<!tpu.dma_semaphore, #tpu.memory_space<semaphore_mem>>)
      %dma_start3A_147 = arith.constant 320 : i32
      %dma_start3A_148 = arith.constant 0 : i32
      %dma_start3A_149 = tpu.memref_slice %arg8[%dma_start3A_147, %dma_start3A_148] : memref<800x32xf32, #tpu.memory_space<vmem>> -> memref<80x32xf32, #tpu.memory_space<vmem>>
      %dma_start3A_150 = arith.constant 320 : i32
      %dma_start3A_151 = tpu.memref_slice %arg6[%dma_start3A_150] : memref<800xi32, #tpu.memory_space<vmem>> -> memref<80xi32, #tpu.memory_space<vmem>>
      %dma_start3A_152 = arith.constant 0 : i32
      %dma_start3A_153 = arith.constant 0 : i32
      %dma_start3A_154 = tpu.memref_slice %arg2[%dma_start3A_152, %dma_start3A_153] : memref<1000000x32xf32, #tpu.memory_space<hbm>> -> memref<1000000x32xf32, #tpu.memory_space<hbm>>
      tpu.enqueue_indirect_dma source(%dma_start3A_154 : memref<1000000x32xf32, #tpu.memory_space<hbm>>) target(%dma_start3A_149 : memref<80x32xf32, #tpu.memory_space<vmem>>) offsets(%dma_start3A_151 : memref<80xi32, #tpu.memory_space<vmem>>) semaphore(%arg12 : memref<!tpu.dma_semaphore, #tpu.memory_space<semaphore_mem>>)
      %dma_start3A_155 = arith.constant 400 : i32
      %dma_start3A_156 = arith.constant 0 : i32
      %dma_start3A_157 = tpu.memref_slice %arg8[%dma_start3A_155, %dma_start3A_156] : memref<800x32xf32, #tpu.memory_space<vmem>> -> memref<80x32xf32, #tpu.memory_space<vmem>>
      %dma_start3A_158 = arith.constant 400 : i32
      %dma_start3A_159 = tpu.memref_slice %arg6[%dma_start3A_158] : memref<800xi32, #tpu.memory_space<vmem>> -> memref<80xi32, #tpu.memory_space<vmem>>
      %dma_start3A_160 = arith.constant 0 : i32
      %dma_start3A_161 = arith.constant 0 : i32
      %dma_start3A_162 = tpu.memref_slice %arg2[%dma_start3A_160, %dma_start3A_161] : memref<1000000x32xf32, #tpu.memory_space<hbm>> -> memref<1000000x32xf32, #tpu.memory_space<hbm>>
      tpu.enqueue_indirect_dma source(%dma_start3A_162 : memref<1000000x32xf32, #tpu.memory_space<hbm>>) target(%dma_start3A_157 : memref<80x32xf32, #tpu.memory_space<vmem>>) offsets(%dma_start3A_159 : memref<80xi32, #tpu.memory_space<vmem>>) semaphore(%arg12 : memref<!tpu.dma_semaphore, #tpu.memory_space<semaphore_mem>>)
      %dma_start3A_163 = arith.constant 480 : i32
      %dma_start3A_164 = arith.constant 0 : i32
      %dma_start3A_165 = tpu.memref_slice %arg8[%dma_start3A_163, %dma_start3A_164] : memref<800x32xf32, #tpu.memory_space<vmem>> -> memref<80x32xf32, #tpu.memory_space<vmem>>
      %dma_start3A_166 = arith.constant 480 : i32
      %dma_start3A_167 = tpu.memref_slice %arg6[%dma_start3A_166] : memref<800xi32, #tpu.memory_space<vmem>> -> memref<80xi32, #tpu.memory_space<vmem>>
      %dma_start3A_168 = arith.constant 0 : i32
      %dma_start3A_169 = arith.constant 0 : i32
      %dma_start3A_170 = tpu.memref_slice %arg2[%dma_start3A_168, %dma_start3A_169] : memref<1000000x32xf32, #tpu.memory_space<hbm>> -> memref<1000000x32xf32, #tpu.memory_space<hbm>>
      tpu.enqueue_indirect_dma source(%dma_start3A_170 : memref<1000000x32xf32, #tpu.memory_space<hbm>>) target(%dma_start3A_165 : memref<80x32xf32, #tpu.memory_space<vmem>>) offsets(%dma_start3A_167 : memref<80xi32, #tpu.memory_space<vmem>>) semaphore(%arg12 : memref<!tpu.dma_semaphore, #tpu.memory_space<semaphore_mem>>)
      %dma_start3A_171 = arith.constant 560 : i32
      %dma_start3A_172 = arith.constant 0 : i32
      %dma_start3A_173 = tpu.memref_slice %arg8[%dma_start3A_171, %dma_start3A_172] : memref<800x32xf32, #tpu.memory_space<vmem>> -> memref<80x32xf32, #tpu.memory_space<vmem>>
      %dma_start3A_174 = arith.constant 560 : i32
      %dma_start3A_175 = tpu.memref_slice %arg6[%dma_start3A_174] : memref<800xi32, #tpu.memory_space<vmem>> -> memref<80xi32, #tpu.memory_space<vmem>>
      %dma_start3A_176 = arith.constant 0 : i32
      %dma_start3A_177 = arith.constant 0 : i32
      %dma_start3A_178 = tpu.memref_slice %arg2[%dma_start3A_176, %dma_start3A_177] : memref<1000000x32xf32, #tpu.memory_space<hbm>> -> memref<1000000x32xf32, #tpu.memory_space<hbm>>
      tpu.enqueue_indirect_dma source(%dma_start3A_178 : memref<1000000x32xf32, #tpu.memory_space<hbm>>) target(%dma_start3A_173 : memref<80x32xf32, #tpu.memory_space<vmem>>) offsets(%dma_start3A_175 : memref<80xi32, #tpu.memory_space<vmem>>) semaphore(%arg12 : memref<!tpu.dma_semaphore, #tpu.memory_space<semaphore_mem>>)
      %dma_start3A_179 = arith.constant 640 : i32
      %dma_start3A_180 = arith.constant 0 : i32
      %dma_start3A_181 = tpu.memref_slice %arg8[%dma_start3A_179, %dma_start3A_180] : memref<800x32xf32, #tpu.memory_space<vmem>> -> memref<80x32xf32, #tpu.memory_space<vmem>>
      %dma_start3A_182 = arith.constant 640 : i32
      %dma_start3A_183 = tpu.memref_slice %arg6[%dma_start3A_182] : memref<800xi32, #tpu.memory_space<vmem>> -> memref<80xi32, #tpu.memory_space<vmem>>
      %dma_start3A_184 = arith.constant 0 : i32
      %dma_start3A_185 = arith.constant 0 : i32
      %dma_start3A_186 = tpu.memref_slice %arg2[%dma_start3A_184, %dma_start3A_185] : memref<1000000x32xf32, #tpu.memory_space<hbm>> -> memref<1000000x32xf32, #tpu.memory_space<hbm>>
      tpu.enqueue_indirect_dma source(%dma_start3A_186 : memref<1000000x32xf32, #tpu.memory_space<hbm>>) target(%dma_start3A_181 : memref<80x32xf32, #tpu.memory_space<vmem>>) offsets(%dma_start3A_183 : memref<80xi32, #tpu.memory_space<vmem>>) semaphore(%arg12 : memref<!tpu.dma_semaphore, #tpu.memory_space<semaphore_mem>>)
      %dma_start3A_187 = arith.constant 720 : i32
      %dma_start3A_188 = arith.constant 0 : i32
      %dma_start3A_189 = tpu.memref_slice %arg8[%dma_start3A_187, %dma_start3A_188] : memref<800x32xf32, #tpu.memory_space<vmem>> -> memref<80x32xf32, #tpu.memory_space<vmem>>
      %dma_start3A_190 = arith.constant 720 : i32
      %dma_start3A_191 = tpu.memref_slice %arg6[%dma_start3A_190] : memref<800xi32, #tpu.memory_space<vmem>> -> memref<80xi32, #tpu.memory_space<vmem>>
      %dma_start3A_192 = arith.constant 0 : i32
      %dma_start3A_193 = arith.constant 0 : i32
      %dma_start3A_194 = tpu.memref_slice %arg2[%dma_start3A_192, %dma_start3A_193] : memref<1000000x32xf32, #tpu.memory_space<hbm>> -> memref<1000000x32xf32, #tpu.memory_space<hbm>>
      tpu.enqueue_indirect_dma source(%dma_start3A_194 : memref<1000000x32xf32, #tpu.memory_space<hbm>>) target(%dma_start3A_189 : memref<80x32xf32, #tpu.memory_space<vmem>>) offsets(%dma_start3A_191 : memref<80xi32, #tpu.memory_space<vmem>>) semaphore(%arg12 : memref<!tpu.dma_semaphore, #tpu.memory_space<semaphore_mem>>)
      %dma_wait3A_195 = arith.constant 0 : i32
      %dma_wait3A_196 = arith.constant 0 : i32
      %dma_wait3A_197 = tpu.memref_slice %arg7[%dma_wait3A_195, %dma_wait3A_196] : memref<800x32xf32, #tpu.memory_space<vmem>> -> memref<80x32xf32, #tpu.memory_space<vmem>>
      %dma_wait3A_198 = arith.constant 0 : i32
      %dma_wait3A_199 = tpu.memref_slice %arg5[%dma_wait3A_198] : memref<800xi32, #tpu.memory_space<vmem>> -> memref<80xi32, #tpu.memory_space<vmem>>
      %dma_wait3A_200 = arith.constant 0 : i32
      %dma_wait3A_201 = arith.constant 0 : i32
      %dma_wait3A_202 = tpu.memref_slice %arg2[%dma_wait3A_200, %dma_wait3A_201] : memref<1000000x32xf32, #tpu.memory_space<hbm>> -> memref<1000000x32xf32, #tpu.memory_space<hbm>>
      tpu.wait_indirect_dma semaphore(%arg11 : memref<!tpu.dma_semaphore, #tpu.memory_space<semaphore_mem>>) src(%dma_wait3A_202 : memref<1000000x32xf32, #tpu.memory_space<hbm>>) dst(%dma_wait3A_197 : memref<80x32xf32, #tpu.memory_space<vmem>>)
      %dma_wait3A_203 = arith.constant 80 : i32
      %dma_wait3A_204 = arith.constant 0 : i32
      %dma_wait3A_205 = tpu.memref_slice %arg7[%dma_wait3A_203, %dma_wait3A_204] : memref<800x32xf32, #tpu.memory_space<vmem>> -> memref<80x32xf32, #tpu.memory_space<vmem>>
      %dma_wait3A_206 = arith.constant 80 : i32
      %dma_wait3A_207 = tpu.memref_slice %arg5[%dma_wait3A_206] : memref<800xi32, #tpu.memory_space<vmem>> -> memref<80xi32, #tpu.memory_space<vmem>>
      %dma_wait3A_208 = arith.constant 0 : i32
      %dma_wait3A_209 = arith.constant 0 : i32
      %dma_wait3A_210 = tpu.memref_slice %arg2[%dma_wait3A_208, %dma_wait3A_209] : memref<1000000x32xf32, #tpu.memory_space<hbm>> -> memref<1000000x32xf32, #tpu.memory_space<hbm>>
      tpu.wait_indirect_dma semaphore(%arg11 : memref<!tpu.dma_semaphore, #tpu.memory_space<semaphore_mem>>) src(%dma_wait3A_210 : memref<1000000x32xf32, #tpu.memory_space<hbm>>) dst(%dma_wait3A_205 : memref<80x32xf32, #tpu.memory_space<vmem>>)
      %dma_wait3A_211 = arith.constant 160 : i32
      %dma_wait3A_212 = arith.constant 0 : i32
      %dma_wait3A_213 = tpu.memref_slice %arg7[%dma_wait3A_211, %dma_wait3A_212] : memref<800x32xf32, #tpu.memory_space<vmem>> -> memref<80x32xf32, #tpu.memory_space<vmem>>
      %dma_wait3A_214 = arith.constant 160 : i32
      %dma_wait3A_215 = tpu.memref_slice %arg5[%dma_wait3A_214] : memref<800xi32, #tpu.memory_space<vmem>> -> memref<80xi32, #tpu.memory_space<vmem>>
      %dma_wait3A_216 = arith.constant 0 : i32
      %dma_wait3A_217 = arith.constant 0 : i32
      %dma_wait3A_218 = tpu.memref_slice %arg2[%dma_wait3A_216, %dma_wait3A_217] : memref<1000000x32xf32, #tpu.memory_space<hbm>> -> memref<1000000x32xf32, #tpu.memory_space<hbm>>
      tpu.wait_indirect_dma semaphore(%arg11 : memref<!tpu.dma_semaphore, #tpu.memory_space<semaphore_mem>>) src(%dma_wait3A_218 : memref<1000000x32xf32, #tpu.memory_space<hbm>>) dst(%dma_wait3A_213 : memref<80x32xf32, #tpu.memory_space<vmem>>)
      %dma_wait3A_219 = arith.constant 240 : i32
      %dma_wait3A_220 = arith.constant 0 : i32
      %dma_wait3A_221 = tpu.memref_slice %arg7[%dma_wait3A_219, %dma_wait3A_220] : memref<800x32xf32, #tpu.memory_space<vmem>> -> memref<80x32xf32, #tpu.memory_space<vmem>>
      %dma_wait3A_222 = arith.constant 240 : i32
      %dma_wait3A_223 = tpu.memref_slice %arg5[%dma_wait3A_222] : memref<800xi32, #tpu.memory_space<vmem>> -> memref<80xi32, #tpu.memory_space<vmem>>
      %dma_wait3A_224 = arith.constant 0 : i32
      %dma_wait3A_225 = arith.constant 0 : i32
      %dma_wait3A_226 = tpu.memref_slice %arg2[%dma_wait3A_224, %dma_wait3A_225] : memref<1000000x32xf32, #tpu.memory_space<hbm>> -> memref<1000000x32xf32, #tpu.memory_space<hbm>>
      tpu.wait_indirect_dma semaphore(%arg11 : memref<!tpu.dma_semaphore, #tpu.memory_space<semaphore_mem>>) src(%dma_wait3A_226 : memref<1000000x32xf32, #tpu.memory_space<hbm>>) dst(%dma_wait3A_221 : memref<80x32xf32, #tpu.memory_space<vmem>>)
      %dma_wait3A_227 = arith.constant 320 : i32
      %dma_wait3A_228 = arith.constant 0 : i32
      %dma_wait3A_229 = tpu.memref_slice %arg7[%dma_wait3A_227, %dma_wait3A_228] : memref<800x32xf32, #tpu.memory_space<vmem>> -> memref<80x32xf32, #tpu.memory_space<vmem>>
      %dma_wait3A_230 = arith.constant 320 : i32
      %dma_wait3A_231 = tpu.memref_slice %arg5[%dma_wait3A_230] : memref<800xi32, #tpu.memory_space<vmem>> -> memref<80xi32, #tpu.memory_space<vmem>>
      %dma_wait3A_232 = arith.constant 0 : i32
      %dma_wait3A_233 = arith.constant 0 : i32
      %dma_wait3A_234 = tpu.memref_slice %arg2[%dma_wait3A_232, %dma_wait3A_233] : memref<1000000x32xf32, #tpu.memory_space<hbm>> -> memref<1000000x32xf32, #tpu.memory_space<hbm>>
      tpu.wait_indirect_dma semaphore(%arg11 : memref<!tpu.dma_semaphore, #tpu.memory_space<semaphore_mem>>) src(%dma_wait3A_234 : memref<1000000x32xf32, #tpu.memory_space<hbm>>) dst(%dma_wait3A_229 : memref<80x32xf32, #tpu.memory_space<vmem>>)
      %dma_wait3A_235 = arith.constant 400 : i32
      %dma_wait3A_236 = arith.constant 0 : i32
      %dma_wait3A_237 = tpu.memref_slice %arg7[%dma_wait3A_235, %dma_wait3A_236] : memref<800x32xf32, #tpu.memory_space<vmem>> -> memref<80x32xf32, #tpu.memory_space<vmem>>
      %dma_wait3A_238 = arith.constant 400 : i32
      %dma_wait3A_239 = tpu.memref_slice %arg5[%dma_wait3A_238] : memref<800xi32, #tpu.memory_space<vmem>> -> memref<80xi32, #tpu.memory_space<vmem>>
      %dma_wait3A_240 = arith.constant 0 : i32
      %dma_wait3A_241 = arith.constant 0 : i32
      %dma_wait3A_242 = tpu.memref_slice %arg2[%dma_wait3A_240, %dma_wait3A_241] : memref<1000000x32xf32, #tpu.memory_space<hbm>> -> memref<1000000x32xf32, #tpu.memory_space<hbm>>
      tpu.wait_indirect_dma semaphore(%arg11 : memref<!tpu.dma_semaphore, #tpu.memory_space<semaphore_mem>>) src(%dma_wait3A_242 : memref<1000000x32xf32, #tpu.memory_space<hbm>>) dst(%dma_wait3A_237 : memref<80x32xf32, #tpu.memory_space<vmem>>)
      %dma_wait3A_243 = arith.constant 480 : i32
      %dma_wait3A_244 = arith.constant 0 : i32
      %dma_wait3A_245 = tpu.memref_slice %arg7[%dma_wait3A_243, %dma_wait3A_244] : memref<800x32xf32, #tpu.memory_space<vmem>> -> memref<80x32xf32, #tpu.memory_space<vmem>>
      %dma_wait3A_246 = arith.constant 480 : i32
      %dma_wait3A_247 = tpu.memref_slice %arg5[%dma_wait3A_246] : memref<800xi32, #tpu.memory_space<vmem>> -> memref<80xi32, #tpu.memory_space<vmem>>
      %dma_wait3A_248 = arith.constant 0 : i32
      %dma_wait3A_249 = arith.constant 0 : i32
      %dma_wait3A_250 = tpu.memref_slice %arg2[%dma_wait3A_248, %dma_wait3A_249] : memref<1000000x32xf32, #tpu.memory_space<hbm>> -> memref<1000000x32xf32, #tpu.memory_space<hbm>>
      tpu.wait_indirect_dma semaphore(%arg11 : memref<!tpu.dma_semaphore, #tpu.memory_space<semaphore_mem>>) src(%dma_wait3A_250 : memref<1000000x32xf32, #tpu.memory_space<hbm>>) dst(%dma_wait3A_245 : memref<80x32xf32, #tpu.memory_space<vmem>>)
      %dma_wait3A_251 = arith.constant 560 : i32
      %dma_wait3A_252 = arith.constant 0 : i32
      %dma_wait3A_253 = tpu.memref_slice %arg7[%dma_wait3A_251, %dma_wait3A_252] : memref<800x32xf32, #tpu.memory_space<vmem>> -> memref<80x32xf32, #tpu.memory_space<vmem>>
      %dma_wait3A_254 = arith.constant 560 : i32
      %dma_wait3A_255 = tpu.memref_slice %arg5[%dma_wait3A_254] : memref<800xi32, #tpu.memory_space<vmem>> -> memref<80xi32, #tpu.memory_space<vmem>>
      %dma_wait3A_256 = arith.constant 0 : i32
      %dma_wait3A_257 = arith.constant 0 : i32
      %dma_wait3A_258 = tpu.memref_slice %arg2[%dma_wait3A_256, %dma_wait3A_257] : memref<1000000x32xf32, #tpu.memory_space<hbm>> -> memref<1000000x32xf32, #tpu.memory_space<hbm>>
      tpu.wait_indirect_dma semaphore(%arg11 : memref<!tpu.dma_semaphore, #tpu.memory_space<semaphore_mem>>) src(%dma_wait3A_258 : memref<1000000x32xf32, #tpu.memory_space<hbm>>) dst(%dma_wait3A_253 : memref<80x32xf32, #tpu.memory_space<vmem>>)
      %dma_wait3A_259 = arith.constant 640 : i32
      %dma_wait3A_260 = arith.constant 0 : i32
      %dma_wait3A_261 = tpu.memref_slice %arg7[%dma_wait3A_259, %dma_wait3A_260] : memref<800x32xf32, #tpu.memory_space<vmem>> -> memref<80x32xf32, #tpu.memory_space<vmem>>
      %dma_wait3A_262 = arith.constant 640 : i32
      %dma_wait3A_263 = tpu.memref_slice %arg5[%dma_wait3A_262] : memref<800xi32, #tpu.memory_space<vmem>> -> memref<80xi32, #tpu.memory_space<vmem>>
      %dma_wait3A_264 = arith.constant 0 : i32
      %dma_wait3A_265 = arith.constant 0 : i32
      %dma_wait3A_266 = tpu.memref_slice %arg2[%dma_wait3A_264, %dma_wait3A_265] : memref<1000000x32xf32, #tpu.memory_space<hbm>> -> memref<1000000x32xf32, #tpu.memory_space<hbm>>
      tpu.wait_indirect_dma semaphore(%arg11 : memref<!tpu.dma_semaphore, #tpu.memory_space<semaphore_mem>>) src(%dma_wait3A_266 : memref<1000000x32xf32, #tpu.memory_space<hbm>>) dst(%dma_wait3A_261 : memref<80x32xf32, #tpu.memory_space<vmem>>)
      %dma_wait3A_267 = arith.constant 720 : i32
      %dma_wait3A_268 = arith.constant 0 : i32
      %dma_wait3A_269 = tpu.memref_slice %arg7[%dma_wait3A_267, %dma_wait3A_268] : memref<800x32xf32, #tpu.memory_space<vmem>> -> memref<80x32xf32, #tpu.memory_space<vmem>>
      %dma_wait3A_270 = arith.constant 720 : i32
      %dma_wait3A_271 = tpu.memref_slice %arg5[%dma_wait3A_270] : memref<800xi32, #tpu.memory_space<vmem>> -> memref<80xi32, #tpu.memory_space<vmem>>
      %dma_wait3A_272 = arith.constant 0 : i32
      %dma_wait3A_273 = arith.constant 0 : i32
      %dma_wait3A_274 = tpu.memref_slice %arg2[%dma_wait3A_272, %dma_wait3A_273] : memref<1000000x32xf32, #tpu.memory_space<hbm>> -> memref<1000000x32xf32, #tpu.memory_space<hbm>>
      tpu.wait_indirect_dma semaphore(%arg11 : memref<!tpu.dma_semaphore, #tpu.memory_space<semaphore_mem>>) src(%dma_wait3A_274 : memref<1000000x32xf32, #tpu.memory_space<hbm>>) dst(%dma_wait3A_269 : memref<80x32xf32, #tpu.memory_space<vmem>>)
      %gt3A = arith.constant 0 : i32
      %gt3A_275 = arith.cmpi sgt, %scan3A_100, %gt3A : i32
      %convert_element_type3A = arith.extui %gt3A_275 : i1 to i32
      %cond3A = arith.constant 0 : i32
      %cond3A_276 = arith.cmpi ne, %convert_element_type3A, %cond3A : i32
      scf.if %cond3A_276 {
        %dma_wait3A_380 = arith.constant 0 : i32
        %dma_wait3A_381 = arith.constant 0 : i32
        %dma_wait3A_382 = tpu.memref_slice %arg4[%add3A_105, %dma_wait3A_380, %dma_wait3A_381] : memref<16384x32x50xf32, #tpu.memory_space<hbm>> -> memref<16x32x50xf32, #tpu.memory_space<hbm>>
        %dma_wait3A_383 = arith.constant 0 : i32
        %dma_wait3A_384 = arith.constant 0 : i32
        %dma_wait3A_385 = tpu.memref_slice %arg4[%add3A_105, %dma_wait3A_383, %dma_wait3A_384] : memref<16384x32x50xf32, #tpu.memory_space<hbm>> -> memref<16x32x50xf32, #tpu.memory_space<hbm>>
        tpu.wait_dma2 semaphore(%arg13 : memref<!tpu.dma_semaphore, #tpu.memory_space<semaphore_mem>>) src(%arg9 : memref<16x32x50xf32, #tpu.memory_space<vmem>>) dst(%dma_wait3A_385 : memref<16x32x50xf32, #tpu.memory_space<hbm>>)
      } else {
      }
      %dma_start3A_277 = arith.constant 0 : i32
      %dma_start3A_278 = arith.constant 0 : i32
      %dma_start3A_279 = tpu.memref_slice %arg4[%add3A_105, %dma_start3A_277, %dma_start3A_278] : memref<16384x32x50xf32, #tpu.memory_space<hbm>> -> memref<16x32x50xf32, #tpu.memory_space<hbm>>
      %dma_start3A_280 = arith.constant 0 : i32
      %dma_start3A_281 = arith.constant 0 : i32
      %dma_start3A_282 = tpu.memref_slice %arg4[%add3A_105, %dma_start3A_280, %dma_start3A_281] : memref<16384x32x50xf32, #tpu.memory_space<hbm>> -> memref<16x32x50xf32, #tpu.memory_space<hbm>>
      tpu.enqueue_dma source(%arg9 : memref<16x32x50xf32, #tpu.memory_space<vmem>>) target(%dma_start3A_282 : memref<16x32x50xf32, #tpu.memory_space<hbm>>) target_semaphore(%arg13 : memref<!tpu.dma_semaphore, #tpu.memory_space<semaphore_mem>>)
      %add3A_283 = arith.constant 1 : i32
      %add3A_284 = arith.addi %scan3A_100, %add3A_283 : i32
      %lt3A = arith.constant 16 : i32
      %lt3A_285 = arith.cmpi slt, %add3A_284, %lt3A : i32
      %convert_element_type3A_286 = arith.extui %lt3A_285 : i1 to i32
      %cond3A_287 = arith.constant 0 : i32
      %cond3A_288 = arith.cmpi ne, %convert_element_type3A_286, %cond3A_287 : i32
      scf.if %cond3A_288 {
        %mul3A_380 = arith.constant 2 : i32
        %mul3A_381 = arith.muli %mul3A_380, %scan3A_100 : i32
        %add3A_382 = arith.constant 2 : i32
        %add3A_383 = arith.addi %mul3A_381, %add3A_382 : i32
        %mul3A_384 = arith.constant 16 : i32
        %mul3A_385 = arith.muli %add3A_383, %mul3A_384 : i32
        %add3A_386 = arith.addi %mul3A_2, %mul3A_385 : i32
        %mul3A_387 = arith.constant 50 : i32
        %mul3A_388 = arith.muli %add3A_386, %mul3A_387 : i32
        "tpu.region"() ({
          %run_scoped3A = tpu.sem_alloc : memref<!tpu.dma_semaphore, #tpu.memory_space<semaphore_mem>>
          %dma_start3A_469 = tpu.memref_slice %arg3[%mul3A_388] : memref<819200xi32, #tpu.memory_space<hbm>> -> memref<800xi32, #tpu.memory_space<hbm>>
          %dma_start3A_470 = tpu.memref_slice %arg3[%mul3A_388] : memref<819200xi32, #tpu.memory_space<hbm>> -> memref<800xi32, #tpu.memory_space<hbm>>
          tpu.enqueue_dma source(%dma_start3A_470 : memref<800xi32, #tpu.memory_space<hbm>>) target(%arg5 : memref<800xi32, #tpu.memory_space<vmem>>) target_semaphore(%run_scoped3A : memref<!tpu.dma_semaphore, #tpu.memory_space<semaphore_mem>>)
          %dma_wait3A_471 = tpu.memref_slice %arg3[%mul3A_388] : memref<819200xi32, #tpu.memory_space<hbm>> -> memref<800xi32, #tpu.memory_space<hbm>>
          %dma_wait3A_472 = tpu.memref_slice %arg3[%mul3A_388] : memref<819200xi32, #tpu.memory_space<hbm>> -> memref<800xi32, #tpu.memory_space<hbm>>
          tpu.wait_dma2 semaphore(%run_scoped3A : memref<!tpu.dma_semaphore, #tpu.memory_space<semaphore_mem>>) src(%dma_wait3A_472 : memref<800xi32, #tpu.memory_space<hbm>>) dst(%arg5 : memref<800xi32, #tpu.memory_space<vmem>>)
          tpu.yield
        }) : () -> ()
        %dma_start3A_389 = arith.constant 0 : i32
        %dma_start3A_390 = arith.constant 0 : i32
        %dma_start3A_391 = tpu.memref_slice %arg7[%dma_start3A_389, %dma_start3A_390] : memref<800x32xf32, #tpu.memory_space<vmem>> -> memref<80x32xf32, #tpu.memory_space<vmem>>
        %dma_start3A_392 = arith.constant 0 : i32
        %dma_start3A_393 = tpu.memref_slice %arg5[%dma_start3A_392] : memref<800xi32, #tpu.memory_space<vmem>> -> memref<80xi32, #tpu.memory_space<vmem>>
        %dma_start3A_394 = arith.constant 0 : i32
        %dma_start3A_395 = arith.constant 0 : i32
        %dma_start3A_396 = tpu.memref_slice %arg2[%dma_start3A_394, %dma_start3A_395] : memref<1000000x32xf32, #tpu.memory_space<hbm>> -> memref<1000000x32xf32, #tpu.memory_space<hbm>>
        tpu.enqueue_indirect_dma source(%dma_start3A_396 : memref<1000000x32xf32, #tpu.memory_space<hbm>>) target(%dma_start3A_391 : memref<80x32xf32, #tpu.memory_space<vmem>>) offsets(%dma_start3A_393 : memref<80xi32, #tpu.memory_space<vmem>>) semaphore(%arg11 : memref<!tpu.dma_semaphore, #tpu.memory_space<semaphore_mem>>)
        %dma_start3A_397 = arith.constant 80 : i32
        %dma_start3A_398 = arith.constant 0 : i32
        %dma_start3A_399 = tpu.memref_slice %arg7[%dma_start3A_397, %dma_start3A_398] : memref<800x32xf32, #tpu.memory_space<vmem>> -> memref<80x32xf32, #tpu.memory_space<vmem>>
        %dma_start3A_400 = arith.constant 80 : i32
        %dma_start3A_401 = tpu.memref_slice %arg5[%dma_start3A_400] : memref<800xi32, #tpu.memory_space<vmem>> -> memref<80xi32, #tpu.memory_space<vmem>>
        %dma_start3A_402 = arith.constant 0 : i32
        %dma_start3A_403 = arith.constant 0 : i32
        %dma_start3A_404 = tpu.memref_slice %arg2[%dma_start3A_402, %dma_start3A_403] : memref<1000000x32xf32, #tpu.memory_space<hbm>> -> memref<1000000x32xf32, #tpu.memory_space<hbm>>
        tpu.enqueue_indirect_dma source(%dma_start3A_404 : memref<1000000x32xf32, #tpu.memory_space<hbm>>) target(%dma_start3A_399 : memref<80x32xf32, #tpu.memory_space<vmem>>) offsets(%dma_start3A_401 : memref<80xi32, #tpu.memory_space<vmem>>) semaphore(%arg11 : memref<!tpu.dma_semaphore, #tpu.memory_space<semaphore_mem>>)
        %dma_start3A_405 = arith.constant 160 : i32
        %dma_start3A_406 = arith.constant 0 : i32
        %dma_start3A_407 = tpu.memref_slice %arg7[%dma_start3A_405, %dma_start3A_406] : memref<800x32xf32, #tpu.memory_space<vmem>> -> memref<80x32xf32, #tpu.memory_space<vmem>>
        %dma_start3A_408 = arith.constant 160 : i32
        %dma_start3A_409 = tpu.memref_slice %arg5[%dma_start3A_408] : memref<800xi32, #tpu.memory_space<vmem>> -> memref<80xi32, #tpu.memory_space<vmem>>
        %dma_start3A_410 = arith.constant 0 : i32
        %dma_start3A_411 = arith.constant 0 : i32
        %dma_start3A_412 = tpu.memref_slice %arg2[%dma_start3A_410, %dma_start3A_411] : memref<1000000x32xf32, #tpu.memory_space<hbm>> -> memref<1000000x32xf32, #tpu.memory_space<hbm>>
        tpu.enqueue_indirect_dma source(%dma_start3A_412 : memref<1000000x32xf32, #tpu.memory_space<hbm>>) target(%dma_start3A_407 : memref<80x32xf32, #tpu.memory_space<vmem>>) offsets(%dma_start3A_409 : memref<80xi32, #tpu.memory_space<vmem>>) semaphore(%arg11 : memref<!tpu.dma_semaphore, #tpu.memory_space<semaphore_mem>>)
        %dma_start3A_413 = arith.constant 240 : i32
        %dma_start3A_414 = arith.constant 0 : i32
        %dma_start3A_415 = tpu.memref_slice %arg7[%dma_start3A_413, %dma_start3A_414] : memref<800x32xf32, #tpu.memory_space<vmem>> -> memref<80x32xf32, #tpu.memory_space<vmem>>
        %dma_start3A_416 = arith.constant 240 : i32
        %dma_start3A_417 = tpu.memref_slice %arg5[%dma_start3A_416] : memref<800xi32, #tpu.memory_space<vmem>> -> memref<80xi32, #tpu.memory_space<vmem>>
        %dma_start3A_418 = arith.constant 0 : i32
        %dma_start3A_419 = arith.constant 0 : i32
        %dma_start3A_420 = tpu.memref_slice %arg2[%dma_start3A_418, %dma_start3A_419] : memref<1000000x32xf32, #tpu.memory_space<hbm>> -> memref<1000000x32xf32, #tpu.memory_space<hbm>>
        tpu.enqueue_indirect_dma source(%dma_start3A_420 : memref<1000000x32xf32, #tpu.memory_space<hbm>>) target(%dma_start3A_415 : memref<80x32xf32, #tpu.memory_space<vmem>>) offsets(%dma_start3A_417 : memref<80xi32, #tpu.memory_space<vmem>>) semaphore(%arg11 : memref<!tpu.dma_semaphore, #tpu.memory_space<semaphore_mem>>)
        %dma_start3A_421 = arith.constant 320 : i32
        %dma_start3A_422 = arith.constant 0 : i32
        %dma_start3A_423 = tpu.memref_slice %arg7[%dma_start3A_421, %dma_start3A_422] : memref<800x32xf32, #tpu.memory_space<vmem>> -> memref<80x32xf32, #tpu.memory_space<vmem>>
        %dma_start3A_424 = arith.constant 320 : i32
        %dma_start3A_425 = tpu.memref_slice %arg5[%dma_start3A_424] : memref<800xi32, #tpu.memory_space<vmem>> -> memref<80xi32, #tpu.memory_space<vmem>>
        %dma_start3A_426 = arith.constant 0 : i32
        %dma_start3A_427 = arith.constant 0 : i32
        %dma_start3A_428 = tpu.memref_slice %arg2[%dma_start3A_426, %dma_start3A_427] : memref<1000000x32xf32, #tpu.memory_space<hbm>> -> memref<1000000x32xf32, #tpu.memory_space<hbm>>
        tpu.enqueue_indirect_dma source(%dma_start3A_428 : memref<1000000x32xf32, #tpu.memory_space<hbm>>) target(%dma_start3A_423 : memref<80x32xf32, #tpu.memory_space<vmem>>) offsets(%dma_start3A_425 : memref<80xi32, #tpu.memory_space<vmem>>) semaphore(%arg11 : memref<!tpu.dma_semaphore, #tpu.memory_space<semaphore_mem>>)
        %dma_start3A_429 = arith.constant 400 : i32
        %dma_start3A_430 = arith.constant 0 : i32
        %dma_start3A_431 = tpu.memref_slice %arg7[%dma_start3A_429, %dma_start3A_430] : memref<800x32xf32, #tpu.memory_space<vmem>> -> memref<80x32xf32, #tpu.memory_space<vmem>>
        %dma_start3A_432 = arith.constant 400 : i32
        %dma_start3A_433 = tpu.memref_slice %arg5[%dma_start3A_432] : memref<800xi32, #tpu.memory_space<vmem>> -> memref<80xi32, #tpu.memory_space<vmem>>
        %dma_start3A_434 = arith.constant 0 : i32
        %dma_start3A_435 = arith.constant 0 : i32
        %dma_start3A_436 = tpu.memref_slice %arg2[%dma_start3A_434, %dma_start3A_435] : memref<1000000x32xf32, #tpu.memory_space<hbm>> -> memref<1000000x32xf32, #tpu.memory_space<hbm>>
        tpu.enqueue_indirect_dma source(%dma_start3A_436 : memref<1000000x32xf32, #tpu.memory_space<hbm>>) target(%dma_start3A_431 : memref<80x32xf32, #tpu.memory_space<vmem>>) offsets(%dma_start3A_433 : memref<80xi32, #tpu.memory_space<vmem>>) semaphore(%arg11 : memref<!tpu.dma_semaphore, #tpu.memory_space<semaphore_mem>>)
        %dma_start3A_437 = arith.constant 480 : i32
        %dma_start3A_438 = arith.constant 0 : i32
        %dma_start3A_439 = tpu.memref_slice %arg7[%dma_start3A_437, %dma_start3A_438] : memref<800x32xf32, #tpu.memory_space<vmem>> -> memref<80x32xf32, #tpu.memory_space<vmem>>
        %dma_start3A_440 = arith.constant 480 : i32
        %dma_start3A_441 = tpu.memref_slice %arg5[%dma_start3A_440] : memref<800xi32, #tpu.memory_space<vmem>> -> memref<80xi32, #tpu.memory_space<vmem>>
        %dma_start3A_442 = arith.constant 0 : i32
        %dma_start3A_443 = arith.constant 0 : i32
        %dma_start3A_444 = tpu.memref_slice %arg2[%dma_start3A_442, %dma_start3A_443] : memref<1000000x32xf32, #tpu.memory_space<hbm>> -> memref<1000000x32xf32, #tpu.memory_space<hbm>>
        tpu.enqueue_indirect_dma source(%dma_start3A_444 : memref<1000000x32xf32, #tpu.memory_space<hbm>>) target(%dma_start3A_439 : memref<80x32xf32, #tpu.memory_space<vmem>>) offsets(%dma_start3A_441 : memref<80xi32, #tpu.memory_space<vmem>>) semaphore(%arg11 : memref<!tpu.dma_semaphore, #tpu.memory_space<semaphore_mem>>)
        %dma_start3A_445 = arith.constant 560 : i32
        %dma_start3A_446 = arith.constant 0 : i32
        %dma_start3A_447 = tpu.memref_slice %arg7[%dma_start3A_445, %dma_start3A_446] : memref<800x32xf32, #tpu.memory_space<vmem>> -> memref<80x32xf32, #tpu.memory_space<vmem>>
        %dma_start3A_448 = arith.constant 560 : i32
        %dma_start3A_449 = tpu.memref_slice %arg5[%dma_start3A_448] : memref<800xi32, #tpu.memory_space<vmem>> -> memref<80xi32, #tpu.memory_space<vmem>>
        %dma_start3A_450 = arith.constant 0 : i32
        %dma_start3A_451 = arith.constant 0 : i32
        %dma_start3A_452 = tpu.memref_slice %arg2[%dma_start3A_450, %dma_start3A_451] : memref<1000000x32xf32, #tpu.memory_space<hbm>> -> memref<1000000x32xf32, #tpu.memory_space<hbm>>
        tpu.enqueue_indirect_dma source(%dma_start3A_452 : memref<1000000x32xf32, #tpu.memory_space<hbm>>) target(%dma_start3A_447 : memref<80x32xf32, #tpu.memory_space<vmem>>) offsets(%dma_start3A_449 : memref<80xi32, #tpu.memory_space<vmem>>) semaphore(%arg11 : memref<!tpu.dma_semaphore, #tpu.memory_space<semaphore_mem>>)
        %dma_start3A_453 = arith.constant 640 : i32
        %dma_start3A_454 = arith.constant 0 : i32
        %dma_start3A_455 = tpu.memref_slice %arg7[%dma_start3A_453, %dma_start3A_454] : memref<800x32xf32, #tpu.memory_space<vmem>> -> memref<80x32xf32, #tpu.memory_space<vmem>>
        %dma_start3A_456 = arith.constant 640 : i32
        %dma_start3A_457 = tpu.memref_slice %arg5[%dma_start3A_456] : memref<800xi32, #tpu.memory_space<vmem>> -> memref<80xi32, #tpu.memory_space<vmem>>
        %dma_start3A_458 = arith.constant 0 : i32
        %dma_start3A_459 = arith.constant 0 : i32
        %dma_start3A_460 = tpu.memref_slice %arg2[%dma_start3A_458, %dma_start3A_459] : memref<1000000x32xf32, #tpu.memory_space<hbm>> -> memref<1000000x32xf32, #tpu.memory_space<hbm>>
        tpu.enqueue_indirect_dma source(%dma_start3A_460 : memref<1000000x32xf32, #tpu.memory_space<hbm>>) target(%dma_start3A_455 : memref<80x32xf32, #tpu.memory_space<vmem>>) offsets(%dma_start3A_457 : memref<80xi32, #tpu.memory_space<vmem>>) semaphore(%arg11 : memref<!tpu.dma_semaphore, #tpu.memory_space<semaphore_mem>>)
        %dma_start3A_461 = arith.constant 720 : i32
        %dma_start3A_462 = arith.constant 0 : i32
        %dma_start3A_463 = tpu.memref_slice %arg7[%dma_start3A_461, %dma_start3A_462] : memref<800x32xf32, #tpu.memory_space<vmem>> -> memref<80x32xf32, #tpu.memory_space<vmem>>
        %dma_start3A_464 = arith.constant 720 : i32
        %dma_start3A_465 = tpu.memref_slice %arg5[%dma_start3A_464] : memref<800xi32, #tpu.memory_space<vmem>> -> memref<80xi32, #tpu.memory_space<vmem>>
        %dma_start3A_466 = arith.constant 0 : i32
        %dma_start3A_467 = arith.constant 0 : i32
        %dma_start3A_468 = tpu.memref_slice %arg2[%dma_start3A_466, %dma_start3A_467] : memref<1000000x32xf32, #tpu.memory_space<hbm>> -> memref<1000000x32xf32, #tpu.memory_space<hbm>>
        tpu.enqueue_indirect_dma source(%dma_start3A_468 : memref<1000000x32xf32, #tpu.memory_space<hbm>>) target(%dma_start3A_463 : memref<80x32xf32, #tpu.memory_space<vmem>>) offsets(%dma_start3A_465 : memref<80xi32, #tpu.memory_space<vmem>>) semaphore(%arg11 : memref<!tpu.dma_semaphore, #tpu.memory_space<semaphore_mem>>)
      } else {
      }
      %dma_wait3A_289 = arith.constant 0 : i32
      %dma_wait3A_290 = arith.constant 0 : i32
      %dma_wait3A_291 = tpu.memref_slice %arg8[%dma_wait3A_289, %dma_wait3A_290] : memref<800x32xf32, #tpu.memory_space<vmem>> -> memref<80x32xf32, #tpu.memory_space<vmem>>
      %dma_wait3A_292 = arith.constant 0 : i32
      %dma_wait3A_293 = tpu.memref_slice %arg6[%dma_wait3A_292] : memref<800xi32, #tpu.memory_space<vmem>> -> memref<80xi32, #tpu.memory_space<vmem>>
      %dma_wait3A_294 = arith.constant 0 : i32
      %dma_wait3A_295 = arith.constant 0 : i32
      %dma_wait3A_296 = tpu.memref_slice %arg2[%dma_wait3A_294, %dma_wait3A_295] : memref<1000000x32xf32, #tpu.memory_space<hbm>> -> memref<1000000x32xf32, #tpu.memory_space<hbm>>
      tpu.wait_indirect_dma semaphore(%arg12 : memref<!tpu.dma_semaphore, #tpu.memory_space<semaphore_mem>>) src(%dma_wait3A_296 : memref<1000000x32xf32, #tpu.memory_space<hbm>>) dst(%dma_wait3A_291 : memref<80x32xf32, #tpu.memory_space<vmem>>)
      %dma_wait3A_297 = arith.constant 80 : i32
      %dma_wait3A_298 = arith.constant 0 : i32
      %dma_wait3A_299 = tpu.memref_slice %arg8[%dma_wait3A_297, %dma_wait3A_298] : memref<800x32xf32, #tpu.memory_space<vmem>> -> memref<80x32xf32, #tpu.memory_space<vmem>>
      %dma_wait3A_300 = arith.constant 80 : i32
      %dma_wait3A_301 = tpu.memref_slice %arg6[%dma_wait3A_300] : memref<800xi32, #tpu.memory_space<vmem>> -> memref<80xi32, #tpu.memory_space<vmem>>
      %dma_wait3A_302 = arith.constant 0 : i32
      %dma_wait3A_303 = arith.constant 0 : i32
      %dma_wait3A_304 = tpu.memref_slice %arg2[%dma_wait3A_302, %dma_wait3A_303] : memref<1000000x32xf32, #tpu.memory_space<hbm>> -> memref<1000000x32xf32, #tpu.memory_space<hbm>>
      tpu.wait_indirect_dma semaphore(%arg12 : memref<!tpu.dma_semaphore, #tpu.memory_space<semaphore_mem>>) src(%dma_wait3A_304 : memref<1000000x32xf32, #tpu.memory_space<hbm>>) dst(%dma_wait3A_299 : memref<80x32xf32, #tpu.memory_space<vmem>>)
      %dma_wait3A_305 = arith.constant 160 : i32
      %dma_wait3A_306 = arith.constant 0 : i32
      %dma_wait3A_307 = tpu.memref_slice %arg8[%dma_wait3A_305, %dma_wait3A_306] : memref<800x32xf32, #tpu.memory_space<vmem>> -> memref<80x32xf32, #tpu.memory_space<vmem>>
      %dma_wait3A_308 = arith.constant 160 : i32
      %dma_wait3A_309 = tpu.memref_slice %arg6[%dma_wait3A_308] : memref<800xi32, #tpu.memory_space<vmem>> -> memref<80xi32, #tpu.memory_space<vmem>>
      %dma_wait3A_310 = arith.constant 0 : i32
      %dma_wait3A_311 = arith.constant 0 : i32
      %dma_wait3A_312 = tpu.memref_slice %arg2[%dma_wait3A_310, %dma_wait3A_311] : memref<1000000x32xf32, #tpu.memory_space<hbm>> -> memref<1000000x32xf32, #tpu.memory_space<hbm>>
      tpu.wait_indirect_dma semaphore(%arg12 : memref<!tpu.dma_semaphore, #tpu.memory_space<semaphore_mem>>) src(%dma_wait3A_312 : memref<1000000x32xf32, #tpu.memory_space<hbm>>) dst(%dma_wait3A_307 : memref<80x32xf32, #tpu.memory_space<vmem>>)
      %dma_wait3A_313 = arith.constant 240 : i32
      %dma_wait3A_314 = arith.constant 0 : i32
      %dma_wait3A_315 = tpu.memref_slice %arg8[%dma_wait3A_313, %dma_wait3A_314] : memref<800x32xf32, #tpu.memory_space<vmem>> -> memref<80x32xf32, #tpu.memory_space<vmem>>
      %dma_wait3A_316 = arith.constant 240 : i32
      %dma_wait3A_317 = tpu.memref_slice %arg6[%dma_wait3A_316] : memref<800xi32, #tpu.memory_space<vmem>> -> memref<80xi32, #tpu.memory_space<vmem>>
      %dma_wait3A_318 = arith.constant 0 : i32
      %dma_wait3A_319 = arith.constant 0 : i32
      %dma_wait3A_320 = tpu.memref_slice %arg2[%dma_wait3A_318, %dma_wait3A_319] : memref<1000000x32xf32, #tpu.memory_space<hbm>> -> memref<1000000x32xf32, #tpu.memory_space<hbm>>
      tpu.wait_indirect_dma semaphore(%arg12 : memref<!tpu.dma_semaphore, #tpu.memory_space<semaphore_mem>>) src(%dma_wait3A_320 : memref<1000000x32xf32, #tpu.memory_space<hbm>>) dst(%dma_wait3A_315 : memref<80x32xf32, #tpu.memory_space<vmem>>)
      %dma_wait3A_321 = arith.constant 320 : i32
      %dma_wait3A_322 = arith.constant 0 : i32
      %dma_wait3A_323 = tpu.memref_slice %arg8[%dma_wait3A_321, %dma_wait3A_322] : memref<800x32xf32, #tpu.memory_space<vmem>> -> memref<80x32xf32, #tpu.memory_space<vmem>>
      %dma_wait3A_324 = arith.constant 320 : i32
      %dma_wait3A_325 = tpu.memref_slice %arg6[%dma_wait3A_324] : memref<800xi32, #tpu.memory_space<vmem>> -> memref<80xi32, #tpu.memory_space<vmem>>
      %dma_wait3A_326 = arith.constant 0 : i32
      %dma_wait3A_327 = arith.constant 0 : i32
      %dma_wait3A_328 = tpu.memref_slice %arg2[%dma_wait3A_326, %dma_wait3A_327] : memref<1000000x32xf32, #tpu.memory_space<hbm>> -> memref<1000000x32xf32, #tpu.memory_space<hbm>>
      tpu.wait_indirect_dma semaphore(%arg12 : memref<!tpu.dma_semaphore, #tpu.memory_space<semaphore_mem>>) src(%dma_wait3A_328 : memref<1000000x32xf32, #tpu.memory_space<hbm>>) dst(%dma_wait3A_323 : memref<80x32xf32, #tpu.memory_space<vmem>>)
      %dma_wait3A_329 = arith.constant 400 : i32
      %dma_wait3A_330 = arith.constant 0 : i32
      %dma_wait3A_331 = tpu.memref_slice %arg8[%dma_wait3A_329, %dma_wait3A_330] : memref<800x32xf32, #tpu.memory_space<vmem>> -> memref<80x32xf32, #tpu.memory_space<vmem>>
      %dma_wait3A_332 = arith.constant 400 : i32
      %dma_wait3A_333 = tpu.memref_slice %arg6[%dma_wait3A_332] : memref<800xi32, #tpu.memory_space<vmem>> -> memref<80xi32, #tpu.memory_space<vmem>>
      %dma_wait3A_334 = arith.constant 0 : i32
      %dma_wait3A_335 = arith.constant 0 : i32
      %dma_wait3A_336 = tpu.memref_slice %arg2[%dma_wait3A_334, %dma_wait3A_335] : memref<1000000x32xf32, #tpu.memory_space<hbm>> -> memref<1000000x32xf32, #tpu.memory_space<hbm>>
      tpu.wait_indirect_dma semaphore(%arg12 : memref<!tpu.dma_semaphore, #tpu.memory_space<semaphore_mem>>) src(%dma_wait3A_336 : memref<1000000x32xf32, #tpu.memory_space<hbm>>) dst(%dma_wait3A_331 : memref<80x32xf32, #tpu.memory_space<vmem>>)
      %dma_wait3A_337 = arith.constant 480 : i32
      %dma_wait3A_338 = arith.constant 0 : i32
      %dma_wait3A_339 = tpu.memref_slice %arg8[%dma_wait3A_337, %dma_wait3A_338] : memref<800x32xf32, #tpu.memory_space<vmem>> -> memref<80x32xf32, #tpu.memory_space<vmem>>
      %dma_wait3A_340 = arith.constant 480 : i32
      %dma_wait3A_341 = tpu.memref_slice %arg6[%dma_wait3A_340] : memref<800xi32, #tpu.memory_space<vmem>> -> memref<80xi32, #tpu.memory_space<vmem>>
      %dma_wait3A_342 = arith.constant 0 : i32
      %dma_wait3A_343 = arith.constant 0 : i32
      %dma_wait3A_344 = tpu.memref_slice %arg2[%dma_wait3A_342, %dma_wait3A_343] : memref<1000000x32xf32, #tpu.memory_space<hbm>> -> memref<1000000x32xf32, #tpu.memory_space<hbm>>
      tpu.wait_indirect_dma semaphore(%arg12 : memref<!tpu.dma_semaphore, #tpu.memory_space<semaphore_mem>>) src(%dma_wait3A_344 : memref<1000000x32xf32, #tpu.memory_space<hbm>>) dst(%dma_wait3A_339 : memref<80x32xf32, #tpu.memory_space<vmem>>)
      %dma_wait3A_345 = arith.constant 560 : i32
      %dma_wait3A_346 = arith.constant 0 : i32
      %dma_wait3A_347 = tpu.memref_slice %arg8[%dma_wait3A_345, %dma_wait3A_346] : memref<800x32xf32, #tpu.memory_space<vmem>> -> memref<80x32xf32, #tpu.memory_space<vmem>>
      %dma_wait3A_348 = arith.constant 560 : i32
      %dma_wait3A_349 = tpu.memref_slice %arg6[%dma_wait3A_348] : memref<800xi32, #tpu.memory_space<vmem>> -> memref<80xi32, #tpu.memory_space<vmem>>
      %dma_wait3A_350 = arith.constant 0 : i32
      %dma_wait3A_351 = arith.constant 0 : i32
      %dma_wait3A_352 = tpu.memref_slice %arg2[%dma_wait3A_350, %dma_wait3A_351] : memref<1000000x32xf32, #tpu.memory_space<hbm>> -> memref<1000000x32xf32, #tpu.memory_space<hbm>>
      tpu.wait_indirect_dma semaphore(%arg12 : memref<!tpu.dma_semaphore, #tpu.memory_space<semaphore_mem>>) src(%dma_wait3A_352 : memref<1000000x32xf32, #tpu.memory_space<hbm>>) dst(%dma_wait3A_347 : memref<80x32xf32, #tpu.memory_space<vmem>>)
      %dma_wait3A_353 = arith.constant 640 : i32
      %dma_wait3A_354 = arith.constant 0 : i32
      %dma_wait3A_355 = tpu.memref_slice %arg8[%dma_wait3A_353, %dma_wait3A_354] : memref<800x32xf32, #tpu.memory_space<vmem>> -> memref<80x32xf32, #tpu.memory_space<vmem>>
      %dma_wait3A_356 = arith.constant 640 : i32
      %dma_wait3A_357 = tpu.memref_slice %arg6[%dma_wait3A_356] : memref<800xi32, #tpu.memory_space<vmem>> -> memref<80xi32, #tpu.memory_space<vmem>>
      %dma_wait3A_358 = arith.constant 0 : i32
      %dma_wait3A_359 = arith.constant 0 : i32
      %dma_wait3A_360 = tpu.memref_slice %arg2[%dma_wait3A_358, %dma_wait3A_359] : memref<1000000x32xf32, #tpu.memory_space<hbm>> -> memref<1000000x32xf32, #tpu.memory_space<hbm>>
      tpu.wait_indirect_dma semaphore(%arg12 : memref<!tpu.dma_semaphore, #tpu.memory_space<semaphore_mem>>) src(%dma_wait3A_360 : memref<1000000x32xf32, #tpu.memory_space<hbm>>) dst(%dma_wait3A_355 : memref<80x32xf32, #tpu.memory_space<vmem>>)
      %dma_wait3A_361 = arith.constant 720 : i32
      %dma_wait3A_362 = arith.constant 0 : i32
      %dma_wait3A_363 = tpu.memref_slice %arg8[%dma_wait3A_361, %dma_wait3A_362] : memref<800x32xf32, #tpu.memory_space<vmem>> -> memref<80x32xf32, #tpu.memory_space<vmem>>
      %dma_wait3A_364 = arith.constant 720 : i32
      %dma_wait3A_365 = tpu.memref_slice %arg6[%dma_wait3A_364] : memref<800xi32, #tpu.memory_space<vmem>> -> memref<80xi32, #tpu.memory_space<vmem>>
      %dma_wait3A_366 = arith.constant 0 : i32
      %dma_wait3A_367 = arith.constant 0 : i32
      %dma_wait3A_368 = tpu.memref_slice %arg2[%dma_wait3A_366, %dma_wait3A_367] : memref<1000000x32xf32, #tpu.memory_space<hbm>> -> memref<1000000x32xf32, #tpu.memory_space<hbm>>
      tpu.wait_indirect_dma semaphore(%arg12 : memref<!tpu.dma_semaphore, #tpu.memory_space<semaphore_mem>>) src(%dma_wait3A_368 : memref<1000000x32xf32, #tpu.memory_space<hbm>>) dst(%dma_wait3A_363 : memref<80x32xf32, #tpu.memory_space<vmem>>)
      %gt3A_369 = arith.constant 0 : i32
      %gt3A_370 = arith.cmpi sgt, %scan3A_100, %gt3A_369 : i32
      %convert_element_type3A_371 = arith.extui %gt3A_370 : i1 to i32
      %cond3A_372 = arith.constant 0 : i32
      %cond3A_373 = arith.cmpi ne, %convert_element_type3A_371, %cond3A_372 : i32
      scf.if %cond3A_373 {
        %dma_wait3A_380 = arith.constant 0 : i32
        %dma_wait3A_381 = arith.constant 0 : i32
        %dma_wait3A_382 = tpu.memref_slice %arg4[%add3A_112, %dma_wait3A_380, %dma_wait3A_381] : memref<16384x32x50xf32, #tpu.memory_space<hbm>> -> memref<16x32x50xf32, #tpu.memory_space<hbm>>
        %dma_wait3A_383 = arith.constant 0 : i32
        %dma_wait3A_384 = arith.constant 0 : i32
        %dma_wait3A_385 = tpu.memref_slice %arg4[%add3A_112, %dma_wait3A_383, %dma_wait3A_384] : memref<16384x32x50xf32, #tpu.memory_space<hbm>> -> memref<16x32x50xf32, #tpu.memory_space<hbm>>
        tpu.wait_dma2 semaphore(%arg14 : memref<!tpu.dma_semaphore, #tpu.memory_space<semaphore_mem>>) src(%arg10 : memref<16x32x50xf32, #tpu.memory_space<vmem>>) dst(%dma_wait3A_385 : memref<16x32x50xf32, #tpu.memory_space<hbm>>)
      } else {
      }
      %dma_start3A_374 = arith.constant 0 : i32
      %dma_start3A_375 = arith.constant 0 : i32
      %dma_start3A_376 = tpu.memref_slice %arg4[%add3A_112, %dma_start3A_374, %dma_start3A_375] : memref<16384x32x50xf32, #tpu.memory_space<hbm>> -> memref<16x32x50xf32, #tpu.memory_space<hbm>>
      %dma_start3A_377 = arith.constant 0 : i32
      %dma_start3A_378 = arith.constant 0 : i32
      %dma_start3A_379 = tpu.memref_slice %arg4[%add3A_112, %dma_start3A_377, %dma_start3A_378] : memref<16384x32x50xf32, #tpu.memory_space<hbm>> -> memref<16x32x50xf32, #tpu.memory_space<hbm>>
      tpu.enqueue_dma source(%arg10 : memref<16x32x50xf32, #tpu.memory_space<vmem>>) target(%dma_start3A_379 : memref<16x32x50xf32, #tpu.memory_space<hbm>>) target_semaphore(%arg14 : memref<!tpu.dma_semaphore, #tpu.memory_space<semaphore_mem>>)
    }
    %scan3A_88 = arith.constant 16 : i32
    %dma_wait3A = arith.constant 0 : i32
    %dma_wait3A_89 = arith.constant 0 : i32
    %dma_wait3A_90 = tpu.memref_slice %arg4[%mul3A_2, %dma_wait3A, %dma_wait3A_89] : memref<16384x32x50xf32, #tpu.memory_space<hbm>> -> memref<16x32x50xf32, #tpu.memory_space<hbm>>
    %dma_wait3A_91 = arith.constant 0 : i32
    %dma_wait3A_92 = arith.constant 0 : i32
    %dma_wait3A_93 = tpu.memref_slice %arg4[%mul3A_2, %dma_wait3A_91, %dma_wait3A_92] : memref<16384x32x50xf32, #tpu.memory_space<hbm>> -> memref<16x32x50xf32, #tpu.memory_space<hbm>>
    tpu.wait_dma2 semaphore(%arg13 : memref<!tpu.dma_semaphore, #tpu.memory_space<semaphore_mem>>) src(%arg9 : memref<16x32x50xf32, #tpu.memory_space<vmem>>) dst(%dma_wait3A_93 : memref<16x32x50xf32, #tpu.memory_space<hbm>>)
    %dma_wait3A_94 = arith.constant 0 : i32
    %dma_wait3A_95 = arith.constant 0 : i32
    %dma_wait3A_96 = tpu.memref_slice %arg4[%mul3A_2, %dma_wait3A_94, %dma_wait3A_95] : memref<16384x32x50xf32, #tpu.memory_space<hbm>> -> memref<16x32x50xf32, #tpu.memory_space<hbm>>
    %dma_wait3A_97 = arith.constant 0 : i32
    %dma_wait3A_98 = arith.constant 0 : i32
    %dma_wait3A_99 = tpu.memref_slice %arg4[%mul3A_2, %dma_wait3A_97, %dma_wait3A_98] : memref<16384x32x50xf32, #tpu.memory_space<hbm>> -> memref<16x32x50xf32, #tpu.memory_space<hbm>>
    tpu.wait_dma2 semaphore(%arg14 : memref<!tpu.dma_semaphore, #tpu.memory_space<semaphore_mem>>) src(%arg10 : memref<16x32x50xf32, #tpu.memory_space<vmem>>) dst(%dma_wait3A_99 : memref<16x32x50xf32, #tpu.memory_space<hbm>>)
    return
  }
}

</mosaic_0001>

<sc_bundles>
// kernel: kernel.3.cloned.1.call-start
scs
__scs_entry_jumppad:
0x0: {  	(pc) =	sbr.rel $0x88, $3  }
0x1: {  	(tag) =	ssettag $0x0;
	lr =	simm.s32 $0x1  }
0x2: {  	[smem:$0x3F9F] =	sst lr;
	_ =	strace $0xD0000000  }
0x3: {  	_ = 	snop  }
0x4: {  	_ = 	snop  }
0x5: {  	_ = 	snop  }
0x6: {  	_ = 	snop  }
0x7: {  	_ = 	snop  }
__scs_overlays_trampoline_lowered:
0x8: {  	[smem:$0x3FAE] =	sst s0  }
0x9: {  	[smem:$0x3FAF] =	sst s1  }
0xa: {  	[smem:$0x3FB0] =	sst s2  }
0xb: {  	[smem:$0x3FB1] =	sst s3  }
0xc: {  	[smem:$0x3FB2] =	sst s4  }
0xd: {  	[smem:$0x3FB3] =	sst s5  }
0xe: {  	[smem:$0x3FB4] =	sst s6  }
0xf: {  	[smem:$0x3FB5] =	sst s7  }
0x10: {  	[smem:$0x3FB6] =	sst s8  }
0x11: {  	[smem:$0x3FB7] =	sst s9;
	s0 =	simm.s32 @!p0 $0x0  }
0x12: {  	s1 =	sld [smem:$0x3F9D];
	s0 =	simm.s32 @p0 $0x1  }
0x13: {  	[smem:$0x3FB8] =	sst s0;
	s0 =	simm.s32 @!p1 $0x0  }
0x14: {  	s2 =	sld [smem:$0x3F9C];
	s0 =	simm.s32 @p1 $0x1  }
0x15: {  	[smem:$0x3FB9] =	sst s0;
	s0 =	simm.s32 @!p2 $0x0  }
0x16: {  	s3 =	sld [smem:$0x3FDB];
	s0 =	simm.s32 @p2 $0x1  }
0x17: {  	s4 =	simm.s32 $0x1BF5;
	[smem:$0x3FBB] =	sst s0  }
0x18: {  	s0 =	sld [smem:$0x3F9E];
	_ =	swait.ge [sflag:s4], $0x0  }
0x19: {  	s7 =	sld [smem:$0x3F9F]  }
0x1a: {  	s8 =	sadd.s32 $0xFFFFE003, lr  }
0x1b: {  	s9 =	sadd.s32 $0xFFFFFEF7, lr;
	s5 =	simm.s32 $0xFFFFFFFF;
	p2 =	slt.u32 s8, $0xFFFFF086  }
0x1c: {  	p1 =	slt.u32 s9, $0xF7A;
	s5 =	simm.s32 @!p2 $0x0  }
0x1d: {  	s5 =	simm.s32 @p1 $0x1;
	p0 =	seq.s32 s7, s2  }
0x1e: {  	s7 =	smul.u32 @!p0 $0xF7A, s2;
	p2 =	seq.s32 @!p0 s5, $0x0  }
0x1f: {  	s9 =	smul.u32 $0xF7A, s1;
	s8 =	simm.s32 @!p0 $0x1BF5;
	p2 =	por !p2, p0  }
0x20: {  	[sflag:s8] =	ssyncset.s32 @!p0 $0xFFFFF086;
	s6 =	sadd.s32 @!p0 s3, s7;
	s7 =	simm.s32 @!p0 $0x108  }
0x21: {  	s3 =	sadd.s32 s3, s9;
	s6 =	sadd.s32 @!p0 $0x88, s6;
	s7 =	simm.s32 @p2 $0x1082  }
0x22: {  	[simem:s7], [sflag:s8] =	dma.local @!p0 [hbm:s6], $0xF7A  }
0x23: {  	s9 =	sor.u32 $0xD0000000, s2;
	s6 =	simm.s32 $0x108;
	_ =	swait.ge @!p0 [sflag:s8], $0x0  }
0x24: {  	s3 =	sadd.s32 $0x88, s3;
	s6 =	simm.s32 @!p1 $0x1082;
	[sflag:s4] =	ssyncset.s32 $0xFFFFF086  }
0x25: {  	[simem:s6], [sflag:s4] =	dma.local [hbm:s3], $0xF7A  }
0x26: {  	[smem:$0x3F9F] =	sst s1;
	(tag) =	ssettag s2;
	_ =	strace s9  }
0x27: {  	s1 =	sld [smem:$0x3FAF]  }
0x28: {  	s2 =	sld [smem:$0x3FB0]  }
0x29: {  	s4 =	sld [smem:$0x3FB2]  }
0x2a: {  	p0 =	seq.s32 s5, $0x0;
	s5 =	sld [smem:$0x3FB3]  }
0x2b: {  	s6 =	sld [smem:$0x3FB4]  }
0x2c: {  	s7 =	sld [smem:$0x3FB5]  }
0x2d: {  	s3 =	simm.s32 $0x108;
	s8 =	sld [smem:$0x3FB6]  }
0x2e: {  	s3 =	simm.s32 @!p0 $0x1082;
	s9 =	sld [smem:$0x3FB7]  }
0x2f: {  	lr =	sadd.s32 s0, s3;
	s0 =	sld [smem:$0x3FAE]  }
0x30: {  	s3 =	sld [smem:$0x3FB1]  }
0x31: {  	[smem:$0x3FBA] =	sst s10  }
0x32: {  	s10 =	sld [smem:$0x3FB8];
	_ =	sdelay $0x3  }
0x33: {  	p0 =	seq.s32 s10, $0x1;
	s10 =	sld [smem:$0x3FBA];
	_ =	sdelay $0x3  }
0x34: {  	[smem:$0x3FBA] =	sst s10  }
0x35: {  	s10 =	sld [smem:$0x3FB9];
	_ =	sdelay $0x3  }
0x36: {  	p1 =	seq.s32 s10, $0x1;
	s10 =	sld [smem:$0x3FBA];
	_ =	sdelay $0x3  }
0x37: {  	[smem:$0x3FBA] =	sst s10  }
0x38: {  	s10 =	sld [smem:$0x3FBB]  }
0x39: {  	_ = 	snop;
	(pc) =	sbr.ind lr, $3  }
0x3a: {  	_ = 	snop  }
0x3b: {  	_ = 	snop  }
0x3c: {  	p2 =	seq.s32 s10, $0x1;
	s10 =	sld [smem:$0x3FBA]  }
0x3d: {  	_ =	shalt  }
0x3e: {  	_ =	shalt  }
0x3f: {  	_ =	shalt  }
0x40: {  	_ =	shalt  }
0x41: {  	_ =	shalt  }
0x42: {  	_ =	shalt  }
0x43: {  	_ =	shalt  }
0x44: {  	_ =	shalt  }
0x45: {  	_ =	shalt  }
0x46: {  	_ =	shalt  }
0x47: {  	_ =	shalt  }
0x48: {  	_ =	shalt  }
0x49: {  	_ =	shalt  }
0x4a: {  	_ =	shalt  }
0x4b: {  	_ =	shalt  }
0x4c: {  	_ =	shalt  }
0x4d: {  	_ =	shalt  }
0x4e: {  	_ =	shalt  }
0x4f: {  	_ =	shalt  }
0x50: {  	_ =	shalt  }
0x51: {  	_ =	shalt  }
0x52: {  	_ =	shalt  }
0x53: {  	_ =	shalt  }
0x54: {  	_ =	shalt  }
0x55: {  	_ =	shalt  }
0x56: {  	_ =	shalt  }
0x57: {  	_ =	shalt  }
0x58: {  	_ =	shalt  }
0x59: {  	_ =	shalt  }
0x5a: {  	_ =	shalt  }
0x5b: {  	_ =	shalt  }
0x5c: {  	_ =	shalt  }
0x5d: {  	_ =	shalt  }
0x5e: {  	_ =	shalt  }
0x5f: {  	_ =	shalt  }
0x60: {  	_ =	shalt  }
0x61: {  	_ =	shalt  }
0x62: {  	_ =	shalt  }
0x63: {  	_ =	shalt  }
0x64: {  	_ =	shalt  }
0x65: {  	_ =	shalt  }
0x66: {  	_ =	shalt  }
0x67: {  	_ =	shalt  }
0x68: {  	_ =	shalt  }
0x69: {  	_ =	shalt  }
0x6a: {  	_ =	shalt  }
0x6b: {  	_ =	shalt  }
0x6c: {  	_ =	shalt  }
0x6d: {  	_ =	shalt  }
0x6e: {  	_ =	shalt  }
0x6f: {  	_ =	shalt  }
0x70: {  	_ =	shalt  }
0x71: {  	_ =	shalt  }
0x72: {  	_ =	shalt  }
0x73: {  	_ =	shalt  }
0x74: {  	_ =	shalt  }
0x75: {  	_ =	shalt  }
0x76: {  	_ =	shalt  }
0x77: {  	_ =	shalt  }
0x78: {  	_ =	shalt  }
0x79: {  	_ =	shalt  }
0x7a: {  	_ =	shalt  }
0x7b: {  	_ =	shalt  }
0x7c: {  	_ =	shalt  }
0x7d: {  	_ =	shalt  }
0x7e: {  	_ =	shalt  }
0x7f: {  	_ =	shalt  }
0x80: {  	_ =	shalt  }
0x81: {  	_ =	shalt  }
0x82: {  	_ =	shalt  }
0x83: {  	_ =	shalt  }
0x84: {  	_ =	shalt  }
0x85: {  	_ =	shalt  }
0x86: {  	_ =	shalt  }
0x87: {  	_ =	shalt  }
.Lfunc_end0:
.L_simem_size_0:
called_computation.1_lowered:
.L_overlay_start_0:
0x88: {  	s2 =	sld [smem:$0x3FD9]  }
0x89: {  	s3 =	sld [smem:$0x3FFE];
	_ =	sdelay $0x1  }
0x8a: {  	s1 =	srdreg.scid  }
0x8b: {  	s0 =	sand.u32 $0x1, s1  }
0x8c: {  	s17 =	sshll.u32 s0, $0xA;
	s2 =	sadd.s32 s3, s2  }
0x8d: {  	s2 =	sadd.s32 s2, s17  }
0x8e: {  	[smem:$0x3FC6] =	sst s2  }
0x8f: {  	_ = 	snop  }
0x90: {  	s2 =	sld [smem:$0x3FD0];
	(tm) =	ssettm $0x1  }
0x91: {  	s18 =	sld [smem:$0x3FFB];
	_ =	sdelay $0x3  }
0x92: {  	_ =	strace s18  }
0x93: {  	s3 =	sld [smem:$0x3FFC];
	_ =	sdelay $0x3  }
0x94: {  	_ =	strace s3  }
0x95: {  	s3 =	sld [smem:$0x3FFD];
	_ =	sdelay $0x3  }
0x96: {  	_ =	strace s3  }
0x97: {  	_ =	strace $0x8FFFFFFF  }
0x98: {  	s19 =	sld [smem:$0x3FDB];
	_ =	sdelay $0x1  }
0x99: {  	s4 =	simm.s32 $_scs_section_size  }
0x9a: {  	s5 =	simm.s32 $_size__tile_overlayer_lowered;
	s6 =	simm.s32 $_tile_overlayer_lowered  }
0x9b: {  	s22 =	simm.s32 $0x1BFF;
	s21 =	sshll.u32 s6, $0x1;
	s3 =	sadd.s32 s4, s19  }
0x9c: {  	s7 =	simm.s32 $0x0;
	s20 =	sshll.u32 s5, $0x1;
	s5 =	sadd.s32 s21, s3  }
0x9d: {  	[timem:s7], [sflag:s22] =	dma.local [hbm:s5], s20  }
0x9e: {  	_ =	swait.ge [sflag:s22], s20  }
0x9f: {  	s4 =	ssub.s32 $0x0, s20;
	[sflag:s22] =	ssyncset.done $0x0  }
0xa0: {  	[sflag:s22] =	ssyncadd.s32 s4;
	_ =	sdelay $0x1  }
0xa1: {  	s23 =	simm.s32 $0x1B8B  }
0xa2: {  	_ =	swait.ge [sflag:s23], $0x1  }
0xa3: {  	[sflag:s23] =	ssyncset.done $0x0  }
0xa4: {  	s25 =	simm.s32 $0x1B8E;
	s24 =	sld [smem:$0x3FFE];
	[sflag:s23] =	ssyncadd.s32 $0xFFFFFFFF  }
0xa5: {  	s26 =	simm.s32 $execute0_lowered;
	[smem:$0x3FD2] =	sst s25  }
0xa6: {  	s5 =	sshll.u32 s26, $0x1;
	_ =	strace $0x80000046;
	[dreg:$0x1] =	wrdreg $0xFFFFFFFF  }
0xa7: {  	s28 =	simm.s32 $_size_execute0_lowered;
	s3 =	sadd.s32 s3, s5;
	[dreg:$0x0] =	wrdreg $0x0  }
0xa8: {  	s5 =	sshll.u32 s28, $0x1;
	[dreg:$0x2] =	wrdreg s3  }
0xa9: {  	[dreg:$0x3] =	wrdreg s5  }
0xaa: {  	[dreg:$0x4] =	wrdreg $0xC0  }
0xab: {  	_ =	task [dreg:s7], $0x5FFFF  }
0xac: {  	[dreg:$0x1] =	wrdreg $0xFFFFFFFF  }
0xad: {  	[dreg:$0x0] =	wrdreg $0x60  }
0xae: {  	[dreg:$0x2] =	wrdreg s24  }
0xaf: {  	[dreg:$0x3] =	wrdreg s2  }
0xb0: {  	[dreg:$0x4] =	wrdreg $0x9  }
0xb1: {  	_ =	task.clear_ibuf [dreg:s7], $0x5FFFF;
	_ =	strace $0x90000046  }
0xb2: {  	s29 =	simm.s32 $0x9;
	_ =	strace $0x80000048  }
0xb3: {  	_ =	swait.ge [sflag:s29], $0x1  }
0xb4: {  	[sflag:s29] =	ssyncadd.s32 $0xFFFFFFFF  }
0xb5: {  	_ =	strace $0x90000048  }
0xb6: {  	_ =	sfence  }
0xb7: {  	s30 =	sld [smem:$0x0];
	_ =	sdelay $0x2  }
0xb8: {  	s31 =	sshll.u32 s1, $0xD;
	s1 =	sshrl.u32 s1, $0x2  }
0xb9: {  	s3 =	sand.u32 $0x4000, s31;
	s1 =	sadd.s32 s1, s30  }
0xba: {  	s0 =	sor.u32 s3, s0;
	s1 =	sshll.u32 s1, $0x11  }
0xbb: {  	s0 =	sor.u32 s1, s0  }
0xbc: {  	s0 =	sadd.s32 $0x8F2B, s0  }
0xbd: {  	[sflag:s0] =	ssyncadd.remote.s32 $0x1  }
0xbe: {  	_ =	sfence.sel $0xFFFF  }
0xbf: {  	[dreg:$0x0] =	wrdreg $0xFFFFFFFF;
	(pc) =	sbr.abs _section_cstart, $3  }
0xc0: {  	[dreg:$0x1] =	wrdreg $0xFFFFFFFF  }
0xc1: {  	_ =	task.clear_ibuf [dreg:s7], $0x2FFFF;
	_ =	strace $0x9FFFFFFF  }
0xc2: {  	(tm) =	ssettm $0x7FFFFFFF  }
0xc3: {  	_ =	shalt  }
tec
execute0_lowered:
.L_overlay_start_1:
0x0: {  	(tag) =	ssettag $0x1  }
0x1: {  	s0 =	rddreg [dreg:$0x0]  }
0x2: {  	s1 =	rddreg [dreg:$0x1];
	s2 =	simm.s32 $0x0;
	s8 =	stileid.u32  }
0x3: {  	s5 =	srdreg.scid;
	s25 =	simm.s32 $0x6A40;
	s26 =	simm.s32 $0x370  }
0x4: {  	s10 =	simm.s32 $0x410;
	s11 =	simm.s32 $0x8840;
	[smem:$0x7FF] =	sst s2  }
0x5: {  	s12 =	simm.s32 $0x460;
	_ =	strace $0x80000047;
	[dreg:$0x4] =	wrdreg s25  }
0x6: {  	s14 =	simm.s32 $0x9240;
	s15 =	simm.s32 $0x4B0;
	[dreg:$0x5] =	wrdreg s26  }
0x7: {  	s16 =	simm.s32 $0x9C40;
	s17 =	simm.s32 $0x500;
	[dreg:$0x9] =	wrdreg s10  }
0x8: {  	s18 =	simm.s32 $0xA640;
	s19 =	simm.s32 $0x550;
	[dreg:$0xa] =	wrdreg s11  }
0x9: {  	s20 =	simm.s32 $0xB040;
	s28 =	simm.s32 $0x6040;
	[dreg:$0xb] =	wrdreg s12  }
0xa: {  	s29 =	simm.s32 $0x320;
	s30 =	simm.s32 $0x1;
	[dreg:$0xc] =	wrdreg s14  }
0xb: {  	s31 =	simm.s32 $0x2;
	s4 =	smul.u32 $0x38000, s8;
	[dreg:$0xd] =	wrdreg s15  }
0xc: {  	s3 =	sadd.s32 $0xF42E00, s0;
	s5 =	sand.u32 $0x1, s5;
	[dreg:$0xe] =	wrdreg s16  }
0xd: {  	s6 =	sshll.u32 s8, $0x1;
	s8 =	sshll.u32 s8, $0xA;
	[dreg:$0xf] =	wrdreg s17  }
0xe: {  	s21 =	ssub.s32 $0x2, s5;
	s6 =	sor.u32 s5, s6;
	[dreg:$0x10] =	wrdreg s18  }
0xf: {  	s7 =	smul.u32 $0x1C000, s5;
	s5 =	sshll.u32 s5, $0x9;
	[dreg:$0x11] =	wrdreg s19  }
0x10: {  	[dreg:$0x12] =	wrdreg s20;
	s25 =	simm.s32 $0xCE40;
	s26 =	simm.s32 $0x13E40  }
0x11: {  	s10 =	simm.s32 $0x0;
	s0 =	sadd.s32 s4, s0;
	s9 =	sshrl.u32 s21, $0x1  }
0x12: {  	s6 =	smul.u32 $0xC80, s6;
	s5 =	sor.u32 s5, s8;
	[dreg:$0x17] =	wrdreg s25  }
0x13: {  	s8 =	simm.s32 $0x3C0;
	[dreg:$0x18] =	wrdreg s26;
	s26 =	simm.s32 $0x2D0  }
0x14: {  	s22 =	ssub.s32 s21, s9;
	s0 =	sadd.s32 s7, s0;
	s23 =	smul.u32 $0x19, s5  }
0x15: {  	[dreg:$0x7] =	wrdreg s8;
	s9 =	simm.s32 $0x7E40;
	s8 =	simm.s32 $0x5  }
0x16: {  	s21 =	simm.s32 $0x5A0;
	s4 =	sadd.s32 s1, s6;
	[dreg:$0x8] =	wrdreg s9  }
0x17: {  	s5 =	smax.u32 s22, $0x1;
	s0 =	sadd.s32 $0xA00, s0;
	[dreg:$0x13] =	wrdreg s21  }
0x18: {  	s6 =	simm.s32 $0x7440;
	s9 =	simm.s32 $0x50;
	[dreg:$0x3] =	wrdreg s0  }
0x19: {  	s22 =	simm.s32 $0xBA40;
	s24 =	sor.u32 $0x190, s23;
	[dreg:$0x6] =	wrdreg s6  }
0x1a: {  	s7 =	sadd.s32 $0x320, s23;
	[dreg:$0x14] =	wrdreg s22;
	s23 =	simm.s32 $0x5F0  }
0x1b: {  	s0 =	sshrl.u32 s24, $0x2;
	s6 =	sshrl.u32 s7, $0x2;
	[dreg:$0x15] =	wrdreg s23  }
0x1c: {  	s24 =	simm.s32 $0xC440;
	s13 =	sadd.s32 s0, s1;
	s7 =	sadd.s32 s6, s1  }
0x1d: {  	[dreg:$0x16] =	wrdreg s24;
	s0 =	simm.s32 $0x3;
	s1 =	simm.s32 $0x4  }
.LBB2_1:
0x1e: {  	[tilespmem:s2], [sflag:$0x5] =	stream.linear.gather [hbm4b:s4+s2], $0x320, $0x38;
	[tilespmem:$0x1AE40] =	vst v63  }
0x1f: {  	_ =	swait.ge [sflag:s8], $0x320  }
0x20: {  	[sflag:s8] =	ssyncset.done $0x0  }
0x21: {  	s6 =	simm.s32 $0x640;
	[sflag:s8] =	ssyncadd.s32 $0xFFFFFCE0  }
0x22: {  	[tilespmem:s6], [sflag:$0x1] =	stream.indirect.gather [hbm4b:s3+s9], $0x20, s2, s9, $0xb8;
	[tilespmem:$0x1AE40] =	vst v63  }
0x23: {  	s18 =	simm.s32 $0x1040  }
0x24: {  	[tilespmem:s18], [sflag:$0x1] =	stream.indirect.gather [hbm4b:s3+s9], $0x20, s9, s9, $0xb8;
	[tilespmem:$0x1AE40] =	vst v63  }
0x25: {  	s19 =	simm.s32 $0xA0;
	s11 =	simm.s32 $0x1A40  }
0x26: {  	[tilespmem:s11], [sflag:$0x1] =	stream.indirect.gather [hbm4b:s3+s9], $0x20, s19, s9, $0xb8;
	[tilespmem:$0x1AE40] =	vst v63  }
0x27: {  	s20 =	simm.s32 $0xF0;
	s21 =	simm.s32 $0x2440  }
0x28: {  	[tilespmem:s21], [sflag:$0x1] =	stream.indirect.gather [hbm4b:s3+s9], $0x20, s20, s9, $0xb8;
	[tilespmem:$0x1AE40] =	vst v63  }
0x29: {  	s22 =	simm.s32 $0x140;
	s23 =	simm.s32 $0x2E40  }
0x2a: {  	[tilespmem:s23], [sflag:$0x1] =	stream.indirect.gather [hbm4b:s3+s9], $0x20, s22, s9, $0xb8;
	[tilespmem:$0x1AE40] =	vst v63  }
0x2b: {  	s24 =	simm.s32 $0x190;
	s25 =	simm.s32 $0x3840  }
0x2c: {  	[tilespmem:s25], [sflag:$0x1] =	stream.indirect.gather [hbm4b:s3+s9], $0x20, s24, s9, $0xb8;
	[tilespmem:$0x1AE40] =	vst v63  }
0x2d: {  	s12 =	simm.s32 $0x1E0;
	s14 =	simm.s32 $0x4240  }
0x2e: {  	[tilespmem:s14], [sflag:$0x1] =	stream.indirect.gather [hbm4b:s3+s9], $0x20, s12, s9, $0xb8;
	[tilespmem:$0x1AE40] =	vst v63  }
0x2f: {  	s15 =	simm.s32 $0x230;
	s16 =	simm.s32 $0x4C40  }
0x30: {  	[tilespmem:s16], [sflag:$0x1] =	stream.indirect.gather [hbm4b:s3+s9], $0x20, s15, s9, $0xb8;
	[tilespmem:$0x1AE40] =	vst v63  }
0x31: {  	s17 =	simm.s32 $0x280;
	s18 =	simm.s32 $0x5640  }
0x32: {  	[tilespmem:s18], [sflag:$0x1] =	stream.indirect.gather [hbm4b:s3+s9], $0x20, s17, s9, $0xb8;
	[tilespmem:$0x1AE40] =	vst v63  }
0x33: {  	_ = 	snop  }
0x34: {  	[tilespmem:s28], [sflag:$0x1] =	stream.indirect.gather [hbm4b:s3+s9], $0x20, s26, s9, $0xb8;
	[tilespmem:$0x1AE40] =	vst v63  }
0x35: {  	_ = 	snop  }
0x36: {  	[tilespmem:s29], [sflag:$0x5] =	stream.linear.gather [hbm4b:s13+s2], $0x320, $0x38;
	[tilespmem:$0x1AE40] =	vst v63  }
0x37: {  	_ =	swait.ge [sflag:s8], $0x320  }
0x38: {  	s19 =	rddreg [dreg:$0x5]  }
0x39: {  	s20 =	rddreg [dreg:$0x4]  }
0x3a: {  	s12 =	rddreg [dreg:$0x6]  }
0x3b: {  	s14 =	rddreg [dreg:$0x8]  }
0x3c: {  	s21 =	rddreg [dreg:$0x7]  }
0x3d: {  	s22 =	rddreg [dreg:$0xa]  }
0x3e: {  	s23 =	rddreg [dreg:$0x9]  }
0x3f: {  	s24 =	rddreg [dreg:$0xc]  }
0x40: {  	[sflag:s8] =	ssyncset.done $0x0;
	s25 =	rddreg [dreg:$0xb]  }
0x41: {  	s15 =	rddreg [dreg:$0xd];
	[sflag:s8] =	ssyncadd.s32 $0xFFFFFCE0  }
0x42: {  	[tilespmem:s20], [sflag:$0x2] =	stream.indirect.gather [hbm4b:s3+s9], $0x20, s29, s9, $0xb8;
	[tilespmem:$0x1AE40] =	vst v63  }
0x43: {  	s16 =	rddreg [dreg:$0x10]  }
0x44: {  	[tilespmem:s12], [sflag:$0x2] =	stream.indirect.gather [hbm4b:s3+s9], $0x20, s19, s9, $0xb8;
	[tilespmem:$0x1AE40] =	vst v63  }
0x45: {  	s17 =	rddreg [dreg:$0xf]  }
0x46: {  	[tilespmem:s14], [sflag:$0x2] =	stream.indirect.gather [hbm4b:s3+s9], $0x20, s21, s9, $0xb8;
	[tilespmem:$0x1AE40] =	vst v63  }
0x47: {  	s18 =	rddreg [dreg:$0x12]  }
0x48: {  	[tilespmem:s22], [sflag:$0x2] =	stream.indirect.gather [hbm4b:s3+s9], $0x20, s23, s9, $0xb8;
	[tilespmem:$0x1AE40] =	vst v63  }
0x49: {  	s20 =	rddreg [dreg:$0x14]  }
0x4a: {  	[tilespmem:s24], [sflag:$0x2] =	stream.indirect.gather [hbm4b:s3+s9], $0x20, s25, s9, $0xb8;
	[tilespmem:$0x1AE40] =	vst v63  }
0x4b: {  	s12 =	rddreg [dreg:$0xe]  }
0x4c: {  	[tilespmem:s12], [sflag:$0x2] =	stream.indirect.gather [hbm4b:s3+s9], $0x20, s15, s9, $0xb8;
	[tilespmem:$0x1AE40] =	vst v63  }
0x4d: {  	s19 =	rddreg [dreg:$0x11]  }
0x4e: {  	[tilespmem:s16], [sflag:$0x2] =	stream.indirect.gather [hbm4b:s3+s9], $0x20, s17, s9, $0xb8;
	[tilespmem:$0x1AE40] =	vst v63  }
0x4f: {  	s21 =	rddreg [dreg:$0x13]  }
0x50: {  	[tilespmem:s18], [sflag:$0x2] =	stream.indirect.gather [hbm4b:s3+s9], $0x20, s19, s9, $0xb8;
	[tilespmem:$0x1AE40] =	vst v63  }
0x51: {  	s22 =	rddreg [dreg:$0x16]  }
0x52: {  	[tilespmem:s20], [sflag:$0x2] =	stream.indirect.gather [hbm4b:s3+s9], $0x20, s21, s9, $0xb8;
	[tilespmem:$0x1AE40] =	vst v63  }
0x53: {  	s23 =	rddreg [dreg:$0x15]  }
0x54: {  	[tilespmem:s22], [sflag:$0x2] =	stream.indirect.gather [hbm4b:s3+s9], $0x20, s23, s9, $0xb8;
	[tilespmem:$0x1AE40] =	vst v63  }
0x55: {  	_ =	swait.ge [sflag:s30], $0xA00  }
0x56: {  	[sflag:s30] =	ssyncset.done $0x0  }
0x57: {  	[sflag:s30] =	ssyncadd.s32 $0xFFFFF600  }
0x58: {  	_ =	swait.ge [sflag:s30], $0xA00  }
0x59: {  	[sflag:s30] =	ssyncset.done $0x0  }
0x5a: {  	[sflag:s30] =	ssyncadd.s32 $0xFFFFF600  }
0x5b: {  	_ =	swait.ge [sflag:s30], $0xA00  }
0x5c: {  	[sflag:s30] =	ssyncset.done $0x0  }
0x5d: {  	[sflag:s30] =	ssyncadd.s32 $0xFFFFF600  }
0x5e: {  	_ =	swait.ge [sflag:s30], $0xA00  }
0x5f: {  	[sflag:s30] =	ssyncset.done $0x0  }
0x60: {  	[sflag:s30] =	ssyncadd.s32 $0xFFFFF600  }
0x61: {  	_ =	swait.ge [sflag:s30], $0xA00  }
0x62: {  	[sflag:s30] =	ssyncset.done $0x0  }
0x63: {  	[sflag:s30] =	ssyncadd.s32 $0xFFFFF600  }
0x64: {  	_ =	swait.ge [sflag:s30], $0xA00  }
0x65: {  	[sflag:s30] =	ssyncset.done $0x0  }
0x66: {  	[sflag:s30] =	ssyncadd.s32 $0xFFFFF600  }
0x67: {  	_ =	swait.ge [sflag:s30], $0xA00  }
0x68: {  	[sflag:s30] =	ssyncset.done $0x0  }
0x69: {  	[sflag:s30] =	ssyncadd.s32 $0xFFFFF600  }
0x6a: {  	_ =	swait.ge [sflag:s30], $0xA00  }
0x6b: {  	[sflag:s30] =	ssyncset.done $0x0  }
0x6c: {  	[sflag:s30] =	ssyncadd.s32 $0xFFFFF600  }
0x6d: {  	_ =	swait.ge [sflag:s30], $0xA00  }
0x6e: {  	[sflag:s30] =	ssyncset.done $0x0  }
0x6f: {  	[sflag:s30] =	ssyncadd.s32 $0xFFFFF600  }
0x70: {  	_ =	swait.ge [sflag:s30], $0xA00  }
0x71: {  	p1 =	por $0x1, $0x1;
	[sflag:s30] =	ssyncset.done $0x0  }
0x72: {  	s6 =	simm.s32 @!p1 $0x3;
	[sflag:s30] =	ssyncadd.s32 $0xFFFFF600  }
0x73: {  	_ =	swait.ge @!p1 [sflag:s6], $0x7000  }
0x74: {  	p0 =	por $0x0, $0x0;
	s24 =	rddreg [dreg:$0x3];
	[sflag:s6] =	ssyncset.done @!p1 $0x0  }
0x75: {  	s25 =	rddreg [dreg:$0x17];
	[sflag:s6] =	ssyncadd.s32 @!p1 $0xFFFF9000;
	s14 =	sadd.s32 $0x0, s24  }
0x76: {  	[hbm4b:s14+s2] =	stream.linear.scatter [tilespmem:s25], [sflag:$0x3], $0x7000, $0x38;
	[tilespmem:$0x1AE40] =	vst v63  }
0x77: {  	s11 =	simm.s32 @!p0 $0x5;
	s6 =	simm.s32 @!p0 $0x0  }
0x78: {  	[tilespmem:s6], [sflag:$0x5] =	stream.linear.gather @!p0 [hbm4b:s7+s6], $0x320, $0x38;
	[tilespmem:$0x1AE40] =	vst v63  }
0x79: {  	_ =	swait.ge @!p0 [sflag:s11], $0x320  }
0x7a: {  	[sflag:s11] =	ssyncset.done @!p0 $0x0  }
0x7b: {  	s12 =	simm.s32 @!p0 $0x50;
	[sflag:s11] =	ssyncadd.s32 @!p0 $0xFFFFFCE0;
	s11 =	simm.s32 @!p0 $0x640  }
0x7c: {  	[tilespmem:s11], [sflag:$0x1] =	stream.indirect.gather @!p0 [hbm4b:s3+s12], $0x20, s6, s12, $0xb8;
	[tilespmem:$0x1AE40] =	vst v63  }
0x7d: {  	s6 =	simm.s32 @!p0 $0x1040  }
0x7e: {  	[tilespmem:s6], [sflag:$0x1] =	stream.indirect.gather @!p0 [hbm4b:s3+s12], $0x20, s12, s12, $0xb8;
	[tilespmem:$0x1AE40] =	vst v63  }
0x7f: {  	s11 =	simm.s32 @!p0 $0x1A40;
	s6 =	simm.s32 @!p0 $0xA0  }
0x80: {  	[tilespmem:s11], [sflag:$0x1] =	stream.indirect.gather @!p0 [hbm4b:s3+s12], $0x20, s6, s12, $0xb8;
	[tilespmem:$0x1AE40] =	vst v63  }
0x81: {  	s6 =	simm.s32 @!p0 $0xF0;
	s11 =	simm.s32 @!p0 $0x2440  }
0x82: {  	[tilespmem:s11], [sflag:$0x1] =	stream.indirect.gather @!p0 [hbm4b:s3+s12], $0x20, s6, s12, $0xb8;
	[tilespmem:$0x1AE40] =	vst v63  }
0x83: {  	s6 =	simm.s32 @!p0 $0x140;
	s11 =	simm.s32 @!p0 $0x2E40  }
0x84: {  	[tilespmem:s11], [sflag:$0x1] =	stream.indirect.gather @!p0 [hbm4b:s3+s12], $0x20, s6, s12, $0xb8;
	[tilespmem:$0x1AE40] =	vst v63  }
0x85: {  	s6 =	simm.s32 @!p0 $0x190;
	s11 =	simm.s32 @!p0 $0x3840  }
0x86: {  	[tilespmem:s11], [sflag:$0x1] =	stream.indirect.gather @!p0 [hbm4b:s3+s12], $0x20, s6, s12, $0xb8;
	[tilespmem:$0x1AE40] =	vst v63  }
0x87: {  	s6 =	simm.s32 @!p0 $0x1E0;
	s11 =	simm.s32 @!p0 $0x4240  }
0x88: {  	[tilespmem:s11], [sflag:$0x1] =	stream.indirect.gather @!p0 [hbm4b:s3+s12], $0x20, s6, s12, $0xb8;
	[tilespmem:$0x1AE40] =	vst v63  }
0x89: {  	s6 =	simm.s32 @!p0 $0x230;
	s11 =	simm.s32 @!p0 $0x4C40  }
0x8a: {  	[tilespmem:s11], [sflag:$0x1] =	stream.indirect.gather @!p0 [hbm4b:s3+s12], $0x20, s6, s12, $0xb8;
	[tilespmem:$0x1AE40] =	vst v63  }
0x8b: {  	s6 =	simm.s32 @!p0 $0x280;
	s11 =	simm.s32 @!p0 $0x5640  }
0x8c: {  	[tilespmem:s11], [sflag:$0x1] =	stream.indirect.gather @!p0 [hbm4b:s3+s12], $0x20, s6, s12, $0xb8;
	[tilespmem:$0x1AE40] =	vst v63  }
0x8d: {  	s6 =	simm.s32 @!p0 $0x2D0;
	s11 =	simm.s32 @!p0 $0x6040  }
0x8e: {  	[tilespmem:s11], [sflag:$0x1] =	stream.indirect.gather @!p0 [hbm4b:s3+s12], $0x20, s6, s12, $0xb8;
	[tilespmem:$0x1AE40] =	vst v63  }
0x8f: {  	_ =	swait.ge [sflag:s31], $0xA00  }
0x90: {  	[sflag:s31] =	ssyncset.done $0x0  }
0x91: {  	[sflag:s31] =	ssyncadd.s32 $0xFFFFF600  }
0x92: {  	_ =	swait.ge [sflag:s31], $0xA00  }
0x93: {  	[sflag:s31] =	ssyncset.done $0x0  }
0x94: {  	[sflag:s31] =	ssyncadd.s32 $0xFFFFF600  }
0x95: {  	_ =	swait.ge [sflag:s31], $0xA00  }
0x96: {  	[sflag:s31] =	ssyncset.done $0x0  }
0x97: {  	[sflag:s31] =	ssyncadd.s32 $0xFFFFF600  }
0x98: {  	_ =	swait.ge [sflag:s31], $0xA00  }
0x99: {  	[sflag:s31] =	ssyncset.done $0x0  }
0x9a: {  	[sflag:s31] =	ssyncadd.s32 $0xFFFFF600  }
0x9b: {  	_ =	swait.ge [sflag:s31], $0xA00  }
0x9c: {  	[sflag:s31] =	ssyncset.done $0x0  }
0x9d: {  	[sflag:s31] =	ssyncadd.s32 $0xFFFFF600  }
0x9e: {  	_ =	swait.ge [sflag:s31], $0xA00  }
0x9f: {  	[sflag:s31] =	ssyncset.done $0x0  }
0xa0: {  	[sflag:s31] =	ssyncadd.s32 $0xFFFFF600  }
0xa1: {  	_ =	swait.ge [sflag:s31], $0xA00  }
0xa2: {  	[sflag:s31] =	ssyncset.done $0x0  }
0xa3: {  	[sflag:s31] =	ssyncadd.s32 $0xFFFFF600  }
0xa4: {  	_ =	swait.ge [sflag:s31], $0xA00  }
0xa5: {  	[sflag:s31] =	ssyncset.done $0x0  }
0xa6: {  	[sflag:s31] =	ssyncadd.s32 $0xFFFFF600  }
0xa7: {  	s11 =	simm.s32 $0x1C00;
	_ =	swait.ge [sflag:s31], $0xA00  }
0xa8: {  	s12 =	sadd.s32 $0xC8, s7;
	s6 =	smov.u32 s13;
	[sflag:s31] =	ssyncset.done $0x0  }
.LBB2_2:
0xa9: {  	[sflag:s31] =	ssyncadd.s32 $0xFFFFF600  }
0xaa: {  	_ =	swait.ge [sflag:s31], $0xA00  }
0xab: {  	[sflag:s31] =	ssyncset.done $0x0  }
0xac: {  	s16 =	simm.s32 @!p1 $0x4;
	[sflag:s31] =	ssyncadd.s32 $0xFFFFF600  }
0xad: {  	_ =	swait.ge @!p1 [sflag:s16], $0x7000  }
0xae: {  	[sflag:s16] =	ssyncset.done @!p1 $0x0  }
0xaf: {  	s14 =	sadd.s32 $0xE00, s14;
	s17 =	rddreg [dreg:$0x18];
	[sflag:s16] =	ssyncadd.s32 @!p1 $0xFFFF9000  }
0xb0: {  	[hbm4b:s14+s2] =	stream.linear.scatter [tilespmem:s17], [sflag:$0x4], $0x7000, $0x38;
	[tilespmem:$0x1AE40] =	vst v63  }
0xb1: {  	s6 =	sadd.s32 $0xC8, s6  }
0xb2: {  	[tilespmem:s29], [sflag:$0x5] =	stream.linear.gather [hbm4b:s6+s2], $0x320, $0x38;
	[tilespmem:$0x1AE40] =	vst v63  }
0xb3: {  	_ =	swait.ge [sflag:s8], $0x320  }
0xb4: {  	s14 =	rddreg [dreg:$0x16]  }
0xb5: {  	s16 =	rddreg [dreg:$0x14]  }
0xb6: {  	s17 =	rddreg [dreg:$0x12]  }
0xb7: {  	s18 =	rddreg [dreg:$0x10]  }
0xb8: {  	s19 =	rddreg [dreg:$0xe]  }
0xb9: {  	s20 =	rddreg [dreg:$0xc]  }
0xba: {  	s21 =	rddreg [dreg:$0x5]  }
0xbb: {  	s22 =	rddreg [dreg:$0x6]  }
0xbc: {  	[sflag:s8] =	ssyncset.done $0x0;
	s23 =	rddreg [dreg:$0x4]  }
0xbd: {  	s24 =	rddreg [dreg:$0x8];
	[sflag:s8] =	ssyncadd.s32 $0xFFFFFCE0  }
0xbe: {  	[tilespmem:s23], [sflag:$0x2] =	stream.indirect.gather [hbm4b:s3+s9], $0x20, s29, s9, $0xb8;
	[tilespmem:$0x1AE40] =	vst v63  }
0xbf: {  	s25 =	rddreg [dreg:$0xa]  }
0xc0: {  	[tilespmem:s22], [sflag:$0x2] =	stream.indirect.gather [hbm4b:s3+s9], $0x20, s21, s9, $0xb8;
	[tilespmem:$0x1AE40] =	vst v63  }
0xc1: {  	s23 =	rddreg [dreg:$0x7]  }
0xc2: {  	[tilespmem:s24], [sflag:$0x2] =	stream.indirect.gather [hbm4b:s3+s9], $0x20, s23, s9, $0xb8;
	[tilespmem:$0x1AE40] =	vst v63  }
0xc3: {  	s22 =	rddreg [dreg:$0x9]  }
0xc4: {  	[tilespmem:s25], [sflag:$0x2] =	stream.indirect.gather [hbm4b:s3+s9], $0x20, s22, s9, $0xb8;
	[tilespmem:$0x1AE40] =	vst v63  }
0xc5: {  	s23 =	rddreg [dreg:$0xb]  }
0xc6: {  	[tilespmem:s20], [sflag:$0x2] =	stream.indirect.gather [hbm4b:s3+s9], $0x20, s23, s9, $0xb8;
	[tilespmem:$0x1AE40] =	vst v63  }
0xc7: {  	s24 =	rddreg [dreg:$0xd]  }
0xc8: {  	[tilespmem:s19], [sflag:$0x2] =	stream.indirect.gather [hbm4b:s3+s9], $0x20, s24, s9, $0xb8;
	[tilespmem:$0x1AE40] =	vst v63  }
0xc9: {  	s25 =	rddreg [dreg:$0xf]  }
0xca: {  	[tilespmem:s18], [sflag:$0x2] =	stream.indirect.gather [hbm4b:s3+s9], $0x20, s25, s9, $0xb8;
	[tilespmem:$0x1AE40] =	vst v63  }
0xcb: {  	s21 =	rddreg [dreg:$0x11]  }
0xcc: {  	[tilespmem:s17], [sflag:$0x2] =	stream.indirect.gather [hbm4b:s3+s9], $0x20, s21, s9, $0xb8;
	[tilespmem:$0x1AE40] =	vst v63  }
0xcd: {  	s22 =	rddreg [dreg:$0x13]  }
0xce: {  	[tilespmem:s16], [sflag:$0x2] =	stream.indirect.gather [hbm4b:s3+s9], $0x20, s22, s9, $0xb8;
	[tilespmem:$0x1AE40] =	vst v63  }
0xcf: {  	s23 =	rddreg [dreg:$0x15]  }
0xd0: {  	[tilespmem:s14], [sflag:$0x2] =	stream.indirect.gather [hbm4b:s3+s9], $0x20, s23, s9, $0xb8;
	[tilespmem:$0x1AE40] =	vst v63  }
0xd1: {  	_ =	swait.ge [sflag:s30], $0xA00  }
0xd2: {  	[sflag:s30] =	ssyncset.done $0x0  }
0xd3: {  	[sflag:s30] =	ssyncadd.s32 $0xFFFFF600  }
0xd4: {  	_ =	swait.ge [sflag:s30], $0xA00  }
0xd5: {  	[sflag:s30] =	ssyncset.done $0x0  }
0xd6: {  	[sflag:s30] =	ssyncadd.s32 $0xFFFFF600  }
0xd7: {  	_ =	swait.ge [sflag:s30], $0xA00  }
0xd8: {  	[sflag:s30] =	ssyncset.done $0x0  }
0xd9: {  	[sflag:s30] =	ssyncadd.s32 $0xFFFFF600  }
0xda: {  	_ =	swait.ge [sflag:s30], $0xA00  }
0xdb: {  	[sflag:s30] =	ssyncset.done $0x0  }
0xdc: {  	[sflag:s30] =	ssyncadd.s32 $0xFFFFF600  }
0xdd: {  	_ =	swait.ge [sflag:s30], $0xA00  }
0xde: {  	[sflag:s30] =	ssyncset.done $0x0  }
0xdf: {  	[sflag:s30] =	ssyncadd.s32 $0xFFFFF600  }
0xe0: {  	_ =	swait.ge [sflag:s30], $0xA00  }
0xe1: {  	[sflag:s30] =	ssyncset.done $0x0  }
0xe2: {  	[sflag:s30] =	ssyncadd.s32 $0xFFFFF600  }
0xe3: {  	_ =	swait.ge [sflag:s30], $0xA00  }
0xe4: {  	[sflag:s30] =	ssyncset.done $0x0  }
0xe5: {  	[sflag:s30] =	ssyncadd.s32 $0xFFFFF600  }
0xe6: {  	_ =	swait.ge [sflag:s30], $0xA00  }
0xe7: {  	[sflag:s30] =	ssyncset.done $0x0  }
0xe8: {  	[sflag:s30] =	ssyncadd.s32 $0xFFFFF600  }
0xe9: {  	_ =	swait.ge [sflag:s30], $0xA00  }
0xea: {  	[sflag:s30] =	ssyncset.done $0x0  }
0xeb: {  	[sflag:s30] =	ssyncadd.s32 $0xFFFFF600  }
0xec: {  	s15 =	smov.u32 s11;
	_ =	swait.ge [sflag:s30], $0xA00  }
0xed: {  	p1 =	seq.s32 s15, $0x0;
	[sflag:s30] =	ssyncset.done $0x0  }
0xee: {  	s14 =	simm.s32 @!p1 $0x3;
	[sflag:s30] =	ssyncadd.s32 $0xFFFFF600  }
0xef: {  	_ =	swait.ge @!p1 [sflag:s14], $0x7000  }
0xf0: {  	p2 =	seq.s32 s15, $0x1A400;
	s24 =	rddreg [dreg:$0x3];
	[sflag:s14] =	ssyncset.done @!p1 $0x0  }
0xf1: {  	s25 =	rddreg [dreg:$0x17];
	[sflag:s14] =	ssyncadd.s32 @!p1 $0xFFFF9000;
	s14 =	sadd.s32 s15, s24  }
0xf2: {  	[hbm4b:s14+s2] =	stream.linear.scatter [tilespmem:s25], [sflag:$0x3], $0x7000, $0x38;
	[tilespmem:$0x1AE40] =	vst v63  }
0xf3: {  	s16 =	simm.s32 @!p2 $0x5;
	s15 =	simm.s32 @!p2 $0x0  }
0xf4: {  	[tilespmem:s15], [sflag:$0x5] =	stream.linear.gather @!p2 [hbm4b:s12+s15], $0x320, $0x38;
	[tilespmem:$0x1AE40] =	vst v63  }
0xf5: {  	_ =	swait.ge @!p2 [sflag:s16], $0x320  }
0xf6: {  	[sflag:s16] =	ssyncset.done @!p2 $0x0  }
0xf7: {  	s18 =	simm.s32 @!p2 $0x640;
	s17 =	simm.s32 @!p2 $0x50;
	[sflag:s16] =	ssyncadd.s32 @!p2 $0xFFFFFCE0  }
0xf8: {  	[tilespmem:s18], [sflag:$0x1] =	stream.indirect.gather @!p2 [hbm4b:s3+s17], $0x20, s15, s17, $0xb8;
	[tilespmem:$0x1AE40] =	vst v63  }
0xf9: {  	s16 =	simm.s32 @!p2 $0x1040  }
0xfa: {  	[tilespmem:s16], [sflag:$0x1] =	stream.indirect.gather @!p2 [hbm4b:s3+s17], $0x20, s17, s17, $0xb8;
	[tilespmem:$0x1AE40] =	vst v63  }
0xfb: {  	s15 =	simm.s32 @!p2 $0xA0;
	s18 =	simm.s32 @!p2 $0x1A40  }
0xfc: {  	[tilespmem:s18], [sflag:$0x1] =	stream.indirect.gather @!p2 [hbm4b:s3+s17], $0x20, s15, s17, $0xb8;
	[tilespmem:$0x1AE40] =	vst v63  }
0xfd: {  	s19 =	simm.s32 @!p2 $0x2440;
	s16 =	simm.s32 @!p2 $0xF0  }
0xfe: {  	[tilespmem:s19], [sflag:$0x1] =	stream.indirect.gather @!p2 [hbm4b:s3+s17], $0x20, s16, s17, $0xb8;
	[tilespmem:$0x1AE40] =	vst v63  }
0xff: {  	s15 =	simm.s32 @!p2 $0x140;
	s18 =	simm.s32 @!p2 $0x2E40  }
0x100: {  	[tilespmem:s18], [sflag:$0x1] =	stream.indirect.gather @!p2 [hbm4b:s3+s17], $0x20, s15, s17, $0xb8;
	[tilespmem:$0x1AE40] =	vst v63  }
0x101: {  	s16 =	simm.s32 @!p2 $0x190;
	s19 =	simm.s32 @!p2 $0x3840  }
0x102: {  	[tilespmem:s19], [sflag:$0x1] =	stream.indirect.gather @!p2 [hbm4b:s3+s17], $0x20, s16, s17, $0xb8;
	[tilespmem:$0x1AE40] =	vst v63  }
0x103: {  	s15 =	simm.s32 @!p2 $0x1E0;
	s18 =	simm.s32 @!p2 $0x4240  }
0x104: {  	[tilespmem:s18], [sflag:$0x1] =	stream.indirect.gather @!p2 [hbm4b:s3+s17], $0x20, s15, s17, $0xb8;
	[tilespmem:$0x1AE40] =	vst v63  }
0x105: {  	s16 =	simm.s32 @!p2 $0x230;
	s19 =	simm.s32 @!p2 $0x4C40  }
0x106: {  	[tilespmem:s19], [sflag:$0x1] =	stream.indirect.gather @!p2 [hbm4b:s3+s17], $0x20, s16, s17, $0xb8;
	[tilespmem:$0x1AE40] =	vst v63  }
0x107: {  	s15 =	simm.s32 @!p2 $0x280;
	s18 =	simm.s32 @!p2 $0x5640  }
0x108: {  	[tilespmem:s18], [sflag:$0x1] =	stream.indirect.gather @!p2 [hbm4b:s3+s17], $0x20, s15, s17, $0xb8;
	[tilespmem:$0x1AE40] =	vst v63  }
0x109: {  	s16 =	simm.s32 @!p2 $0x2D0;
	s19 =	simm.s32 @!p2 $0x6040  }
0x10a: {  	[tilespmem:s19], [sflag:$0x1] =	stream.indirect.gather @!p2 [hbm4b:s3+s17], $0x20, s16, s17, $0xb8;
	[tilespmem:$0x1AE40] =	vst v63  }
0x10b: {  	_ =	swait.ge [sflag:s31], $0xA00  }
0x10c: {  	[sflag:s31] =	ssyncset.done $0x0  }
0x10d: {  	[sflag:s31] =	ssyncadd.s32 $0xFFFFF600  }
0x10e: {  	_ =	swait.ge [sflag:s31], $0xA00  }
0x10f: {  	[sflag:s31] =	ssyncset.done $0x0  }
0x110: {  	[sflag:s31] =	ssyncadd.s32 $0xFFFFF600  }
0x111: {  	_ =	swait.ge [sflag:s31], $0xA00  }
0x112: {  	[sflag:s31] =	ssyncset.done $0x0  }
0x113: {  	[sflag:s31] =	ssyncadd.s32 $0xFFFFF600  }
0x114: {  	_ =	swait.ge [sflag:s31], $0xA00  }
0x115: {  	[sflag:s31] =	ssyncset.done $0x0  }
0x116: {  	[sflag:s31] =	ssyncadd.s32 $0xFFFFF600  }
0x117: {  	_ =	swait.ge [sflag:s31], $0xA00  }
0x118: {  	[sflag:s31] =	ssyncset.done $0x0  }
0x119: {  	[sflag:s31] =	ssyncadd.s32 $0xFFFFF600  }
0x11a: {  	_ =	swait.ge [sflag:s31], $0xA00  }
0x11b: {  	[sflag:s31] =	ssyncset.done $0x0  }
0x11c: {  	[sflag:s31] =	ssyncadd.s32 $0xFFFFF600  }
0x11d: {  	_ =	swait.ge [sflag:s31], $0xA00  }
0x11e: {  	s11 =	sadd.s32 $0x1C00, s11;
	[sflag:s31] =	ssyncset.done $0x0  }
0x11f: {  	p0 =	sne.s32 s11, $0x1C000;
	[sflag:s31] =	ssyncadd.s32 $0xFFFFF600  }
.Ltmp0:
0x120: {  	_ =	swait.ge [sflag:s31], $0xA00;
	(pc) =	sbr.rel @p0 .LBB2_2-.Ltmp0, $4  }
0x121: {  	[sflag:s31] =	ssyncset.done $0x0  }
0x122: {  	[sflag:s31] =	ssyncadd.s32 $0xFFFFF600  }
0x123: {  	_ =	swait.ge [sflag:s31], $0xA00  }
0x124: {  	s12 =	sadd.s32 $0xC8, s12;
	[sflag:s31] =	ssyncset.done $0x0  }
0x125: {  	[sflag:s31] =	ssyncadd.s32 $0xFFFFF600  }
0x126: {  	_ =	swait.ge [sflag:s31], $0xA00  }
0x127: {  	[sflag:s31] =	ssyncset.done $0x0  }
0x128: {  	s6 =	simm.s32 @!p1 $0x4;
	[sflag:s31] =	ssyncadd.s32 $0xFFFFF600  }
0x129: {  	_ =	swait.ge @!p1 [sflag:s6], $0x7000  }
0x12a: {  	s25 =	sadd.s32 $0xE00, s14;
	[sflag:s6] =	ssyncset.done @!p1 $0x0  }
0x12b: {  	s10 =	sadd.s32 $0x1, s10;
	s11 =	rddreg [dreg:$0x18];
	[sflag:s6] =	ssyncadd.s32 @!p1 $0xFFFF9000  }
0x12c: {  	[hbm4b:s25+s2] =	stream.linear.scatter [tilespmem:s11], [sflag:$0x4], $0x7000, $0x38;
	[tilespmem:$0x1AE40] =	vst v63  }
0x12d: {  	p0 =	sne.s32 s10, s5;
	_ =	swait.ge [sflag:s0], $0x7000  }
.Ltmp1:
0x12e: {  	[sflag:s0] =	ssyncset.done $0x0;
	(pc) =	sbr.rel @p0 .LBB2_1-.Ltmp1, $4  }
0x12f: {  	[sflag:s0] =	ssyncadd.s32 $0xFFFF9000  }
0x130: {  	_ =	swait.ge [sflag:s1], $0x7000  }
0x131: {  	[sflag:s1] =	ssyncset.done $0x0  }
0x132: {  	[sflag:s1] =	ssyncadd.s32 $0xFFFF9000  }
0x133: {  	_ =	sfence.sel $0x180000  }
0x134: {  	[bflag:$0x0] =	sbarrier.arrive $0xFFFF  }
0x135: {  	_ =	strace $0x90000047  }
0x136: {  	s0 =	stileid.u32;
	[bflag:$0x2] =	sbarrier.arrive $0xFFFF  }
0x137: {  	p0 =	sne.s32 s0, $0x0;
	s0 =	rddreg [dreg:$0x2]  }
0x138: {  	s0 =	sadd.s32 @!p0 $0x100000, s0  }
0x139: {  	[sflag:s0] =	ssyncadd.tile.s32 @!p0 $0x1;
	_ =	shalt  }
.Lfunc_end2:
_tile_overlayer_lowered:
.L_overlay_start_2:
0x13a: {  	(tag) =	ssettag $0x2  }
0x13b: {  	s0 =	rddreg [dreg:$0x0];
	s2 =	stileid.u32  }
0x13c: {  	s1 =	rddreg [dreg:$0x1];
	p0 =	sne.s32 s2, $0x0  }
0x13d: {  	s3 =	rddreg [dreg:$0x2];
	[bflag:$0x3] =	sbarrier.arrive $0xFFFF;
	s2 =	simm.s32 @!p0 $0x1C05  }
0x13e: {  	[timem:s3], [sflag:s2] =	dma.local @!p0 [hbm:s0], s1  }
0x13f: {  	s0 =	simm.s32 @!p0 $0x5  }
0x140: {  	_ =	swait.ge @!p0 [sflag:s0], s1  }
0x141: {  	s1 =	ssub.s32 @!p0 $0x0, s1;
	[sflag:s0] =	ssyncset.done @!p0 $0x0  }
0x142: {  	[sflag:s0] =	ssyncadd.s32 @!p0 s1  }
0x143: {  	[bflag:$0x3] =	sbarrier.arrive $0xFFFF  }
0x144: {  	_ =	shalt  }

// kernel: sparse-core-data-format-call.cloned.1.call-start
scs
called_computation_lowered:
.L_overlay_start_0:
0x0: {  	s2 =	sld [smem:$0x3FD9]  }
0x1: {  	s3 =	sld [smem:$0x3FFE];
	_ =	sdelay $0x1  }
0x2: {  	s1 =	srdreg.scid  }
0x3: {  	s0 =	sand.u32 $0x1, s1  }
0x4: {  	s18 =	sshll.u32 s0, $0xA;
	s2 =	sadd.s32 s3, s2  }
0x5: {  	s2 =	sadd.s32 s2, s18  }
0x6: {  	[smem:$0x3FC6] =	sst s2  }
0x7: {  	_ = 	snop  }
0x8: {  	s2 =	sld [smem:$0x3FD0];
	(tm) =	ssettm $0x1  }
0x9: {  	s19 =	sld [smem:$0x3FFB];
	_ =	sdelay $0x3  }
0xa: {  	_ =	strace s19  }
0xb: {  	s3 =	sld [smem:$0x3FFC];
	_ =	sdelay $0x3  }
0xc: {  	_ =	strace s3  }
0xd: {  	s3 =	sld [smem:$0x3FFD];
	_ =	sdelay $0x3  }
0xe: {  	_ =	strace s3  }
0xf: {  	_ =	strace $0x8FFFFFFF  }
0x10: {  	s20 =	sld [smem:$0x3FDB];
	_ =	sdelay $0x1  }
0x11: {  	s4 =	simm.s32 $_scs_section_size  }
0x12: {  	s5 =	simm.s32 $_size__tile_overlayer_lowered;
	s6 =	simm.s32 $_tile_overlayer_lowered  }
0x13: {  	s23 =	simm.s32 $0x1BFF;
	s22 =	sshll.u32 s6, $0x1;
	s3 =	sadd.s32 s4, s20  }
0x14: {  	s7 =	simm.s32 $0x0;
	s21 =	sshll.u32 s5, $0x1;
	s5 =	sadd.s32 s22, s3  }
0x15: {  	[timem:s7], [sflag:s23] =	dma.local [hbm:s5], s21  }
0x16: {  	_ =	swait.ge [sflag:s23], s21  }
0x17: {  	s4 =	ssub.s32 $0x0, s21;
	[sflag:s23] =	ssyncset.done $0x0  }
0x18: {  	[sflag:s23] =	ssyncadd.s32 s4;
	_ =	sdelay $0x1  }
0x19: {  	s24 =	simm.s32 $0x1B8B  }
0x1a: {  	_ =	swait.ge [sflag:s24], $0x1  }
0x1b: {  	[sflag:s24] =	ssyncset.done $0x0  }
0x1c: {  	s26 =	simm.s32 $0x1B8E;
	s25 =	sld [smem:$0x3FFE];
	[sflag:s24] =	ssyncadd.s32 $0xFFFFFFFF  }
0x1d: {  	s27 =	simm.s32 $execute0_lowered;
	[smem:$0x3FD2] =	sst s26  }
0x1e: {  	s5 =	sshll.u32 s27, $0x1;
	_ =	strace $0x80000049;
	[dreg:$0x1] =	wrdreg $0xFFFFFFFF  }
0x1f: {  	s28 =	simm.s32 $_size_execute0_lowered;
	s3 =	sadd.s32 s3, s5;
	[dreg:$0x0] =	wrdreg $0x0  }
0x20: {  	s5 =	sshll.u32 s28, $0x1;
	[dreg:$0x2] =	wrdreg s3  }
0x21: {  	[dreg:$0x3] =	wrdreg s5  }
0x22: {  	[dreg:$0x4] =	wrdreg $0xC0  }
0x23: {  	_ =	task [dreg:s7], $0x5FFFF  }
0x24: {  	[dreg:$0x1] =	wrdreg $0xFFFFFFFF  }
0x25: {  	[dreg:$0x0] =	wrdreg $0x60  }
0x26: {  	[dreg:$0x2] =	wrdreg s25  }
0x27: {  	[dreg:$0x3] =	wrdreg s2  }
0x28: {  	[dreg:$0x4] =	wrdreg $0x9  }
0x29: {  	_ =	task.clear_ibuf [dreg:s7], $0x5FFFF;
	_ =	strace $0x90000049  }
0x2a: {  	s29 =	simm.s32 $0x9;
	_ =	strace $0x8000004B  }
0x2b: {  	_ =	swait.ge [sflag:s29], $0x1  }
0x2c: {  	[sflag:s29] =	ssyncadd.s32 $0xFFFFFFFF  }
0x2d: {  	_ =	strace $0x9000004B  }
0x2e: {  	_ =	sfence  }
0x2f: {  	s30 =	sld [smem:$0x0];
	_ =	sdelay $0x2  }
0x30: {  	s31 =	sshll.u32 s1, $0xD;
	s1 =	sshrl.u32 s1, $0x2  }
0x31: {  	s3 =	sand.u32 $0x4000, s31;
	s1 =	sadd.s32 s1, s30  }
0x32: {  	s0 =	sor.u32 s3, s0;
	s1 =	sshll.u32 s1, $0x11  }
0x33: {  	s0 =	sor.u32 s1, s0  }
0x34: {  	s0 =	sadd.s32 $0x8F2B, s0  }
0x35: {  	[sflag:s0] =	ssyncadd.remote.s32 $0x1  }
0x36: {  	_ =	sfence.sel $0xFFFF  }
0x37: {  	[dreg:$0x0] =	wrdreg $0xFFFFFFFF;
	(pc) =	sbr.abs _section_cstart, $3  }
0x38: {  	[dreg:$0x1] =	wrdreg $0xFFFFFFFF  }
0x39: {  	_ =	task.clear_ibuf [dreg:s7], $0x2FFFF;
	_ =	strace $0x9FFFFFFF  }
0x3a: {  	(tm) =	ssettm $0x7FFFFFFF  }
0x3b: {  	_ =	shalt  }
tec
execute0_lowered:
.L_overlay_start_1:
0x0: {  	(tag) =	ssettag $0x1  }
0x1: {  	s0 =	srdreg.scid;
	s5 =	rddreg [dreg:$0x0]  }
0x2: {  	s3 =	rddreg [dreg:$0x1];
	s1 =	sshll.u32 s0, $0x4  }
0x3: {  	s7 =	simm.s32 $0x1;
	s0 =	stileid.u32;
	s1 =	sand.u32 $0x10, s1  }
0x4: {  	s8 =	simm.s32 $0x2;
	s15 =	simm.s32 $0x0;
	s1 =	sor.u32 s0, s1  }
0x5: {  	s14 =	simm.s32 $0x0;
	s9 =	simm.s32 $0x0;
	s2 =	sshll.u32 s1, $0x7  }
0x6: {  	s10 =	simm.s32 $0x0;
	s11 =	simm.s32 $0x0;
	s6 =	ssub.s32 $0x4000, s2  }
0x7: {  	s13 =	simm.s32 $0x0;
	s5 =	sadd.s32 $0x380A00, s5;
	s4 =	sand.u32 $0xF80, s6  }
.Ltmp0:
0x8: {  	s1 =	rddreg [dreg:$0x2];
	p0 =	sne.s32 s4, $0x0;
	(pc) =	sbr.rel .LBB1_1-.Ltmp0, $4  }
0x9: {  	_ =	strace $0x8000004A;
	s6 =	sshrl.u32 s6, $0xC;
	s7 =	simm.s32 @!p0 $0x0  }
0xa: {  	s12 =	smov.u32 s2;
	s4 =	simm.s32 $0x1;
	s6 =	sadd.s32 s7, s6  }
0xb: {  	[sflag:s4] =	ssyncpa.u1 $0x0;
	p0 =	por $0x0, $0x0;
	s6 =	sshll.u32 s6, $0x5  }
0xc: {  	[sflag:s8] =	ssyncpa.u1 $0x0;
	s8 =	simm.s32 $0x80000;
	s7 =	sor.u32 $0x1, s6  }
.LBB1_4:
0xd: {  	p1 =	sgt.s32 s9, $0x1F;
	s18 =	smov.u32 s9;
	s19 =	sshra.s32 s9, $0x1F  }
0xe: {  	s20 =	sand.u32 $0x78, s10;
	s21 =	sshll.u32 s9, $0xE;
	s31 =	sshra.s32 s10, $0x1F  }
0xf: {  	s23 =	sshll.u32 s10, $0x3;
	s26 =	sshll.u32 s9, $0x7;
	s18 =	simm.s32 @!p1 $0x1F  }
0x10: {  	s19 =	sand.u32 s19, s9;
	p1 =	sgt.s32 s10, $0x3F80;
	s21 =	sand.u32 $0x60000, s21  }
0x11: {  	s24 =	sand.u32 $0x7FC00, s23;
	s18 =	ssub.s32 s18, s19;
	s19 =	smov.u32 s10  }
0x12: {  	s23 =	sand.u32 $0x3C00, s23;
	s22 =	sadd.s32 $0xFFFFFFE1, s18;
	s19 =	simm.s32 @!p1 $0x3F80  }
0x13: {  	s18 =	ssub.s32 $0x20, s18;
	p1 =	sgt.s32 s22, $0x0;
	s22 =	sand.u32 s31, s10  }
0x14: {  	s21 =	sadd.s32 s24, s21;
	s18 =	smul.u32 $0x32, s18;
	s19 =	ssub.s32 s19, s22  }
0x15: {  	s20 =	sor.u32 s20, s23;
	s22 =	sand.u32 $0x380, s26;
	s25 =	sadd.s32 $0xFFFFC080, s19  }
0x16: {  	s18 =	simm.s32 @p1 $0x0;
	s19 =	ssub.s32 $0x4000, s19;
	p1 =	sgt.s32 s25, $0x7F  }
0x17: {  	s21 =	sand.u32 $0x7C000, s21;
	s20 =	sor.u32 s22, s20;
	s19 =	simm.s32 @p1 $0x0  }
0x18: {  	[tilespmem:s17+$0x810 ss:$0x81] =	vst.msk $0xffff, v2;
	s28 =	sand.u32 $0x7, s10;
	s27 =	sor.u32 s21, s20;
	s18 =	smul.u32 s19, s18  }
0x19: {  	[tilespmem:s17+$0x1020 ss:$0x81] =	vst.msk $0xffff, v0;
	s20 =	sshll.u32 s28, $0x12;
	s19 =	sshrl.u32 s27, $0x3  }
0x1a: {  	[tilespmem:s17+$0x0 ss:$0x81] =	vst.msk $0xffff, v1;
	s31 =	sor.u32 $0x80, s20;
	s30 =	sadd.s32 s3, s19;
	s29 =	sand.u32 $0x3FFFFFFE, s18  }
0x1b: {  	[hbm4b:s30+s31] =	stream.strided.scatter [tilespmem:s16], [sflag:$0x2], s29, s8, s31, $0x20;
	[tilespmem:$0x8080] =	vst v63  }
.LBB1_5:
0x1c: {  	p1 =	slt.u32 s13, $0x2  }
0x1d: {  	s17 =	smov.u32 s15;
	p2 =	sgt.s32 @!p1 s15, $0x1F;
	s16 =	sshra.s32 @!p1 s15, $0x1F  }
0x1e: {  	p3 =	sgt.s32 @!p1 s14, $0x3F80;
	s18 =	sshra.s32 @!p1 s14, $0x1F;
	p2 =	por !p2, p1  }
0x1f: {  	s15 =	sand.u32 @!p1 s16, s15;
	p3 =	por !p3, p1;
	s16 =	smov.u32 s14  }
0x20: {  	s14 =	sand.u32 @!p1 s18, s14;
	s17 =	simm.s32 @p2 $0x1F;
	s16 =	simm.s32 @p3 $0x3F80  }
0x21: {  	s18 =	smov.u32 s12;
	s15 =	ssub.s32 @!p1 s17, s15;
	s14 =	ssub.s32 @!p1 s16, s14  }
0x22: {  	s16 =	sadd.s32 @!p1 $0xFFFFFFE1, s15;
	s15 =	ssub.s32 @!p1 $0x20, s15;
	s17 =	sadd.s32 @!p1 $0xFFFFC080, s14  }
0x23: {  	p2 =	sgt.s32 @!p1 s16, $0x0;
	s15 =	smul.u32 @!p1 $0x32, s15;
	p3 =	sgt.s32 @!p1 s17, $0x7F  }
0x24: {  	s14 =	ssub.s32 @!p1 $0x4000, s14;
	p2 =	por !p2, p1;
	p3 =	por !p3, p1  }
0x25: {  	s16 =	sadd.s32 $0x1, s11;
	s15 =	simm.s32 @!p2 $0x0;
	s14 =	simm.s32 @!p3 $0x0  }
0x26: {  	p2 =	sgt.s32 s16, $0x1F;
	s14 =	smul.u32 @!p1 s14, s15;
	s15 =	sadd.s32 $0x1000, s12  }
0x27: {  	s18 =	smov.u32 @p2 s15  }
0x28: {  	s16 =	simm.s32 @p2 $0x0;
	p2 =	sgt.s32 s18, $0x3FFF  }
0x29: {  	s18 =	smov.u32 @p2 s2;
	p2 =	sne.s32 s13, s7  }
.Ltmp1:
0x2a: {  	p0 =	por !p0, !p0;
	s17 =	simm.s32 @!p1 $0x2;
	(pc) =	sbr.rel @!p2 .LBB1_6-.Ltmp1, $4  }
0x2b: {  	s15 =	smov.u32 s9;
	s9 =	smov.u32 s11;
	s14 =	sand.u32 @!p1 $0x3FFFFFFE, s14  }
0x2c: {  	s11 =	smov.u32 s16;
	_ =	swait.ge @!p1 [sflag:s17], s14;
	s19 =	ssub.s32 @!p1 $0x0, s14  }
0x2d: {  	s14 =	smov.u32 s10;
	s13 =	sadd.s32 $0x1, s13;
	[sflag:s17] =	ssyncset.done @!p1 $0x0  }
0x2e: {  	s10 =	smov.u32 s12;
	s12 =	smov.u32 s18;
	[sflag:s17] =	ssyncadd.s32 @!p1 s19  }
.LBB1_1:
0x2f: {  	p1 =	sge.u32 s13, s6  }
0x30: {  	s31 =	sadd.s32 $0xFFFFFFFF, s13;
	s16 =	sxor.u32 @!p1 $0xFFFFFFFF, s13  }
0x31: {  	s17 =	sshll.u32 @!p1 s12, $0x9;
	s18 =	sshll.u32 @!p1 s11, $0x4;
	s19 =	simm.s32 @!p1 $0x1000  }
0x32: {  	s16 =	sshll.u32 @!p1 s16, $0xD;
	s18 =	sand.u32 @!p1 $0x1F0, s18;
	s17 =	sadd.s32 @!p1 s5, s17  }
0x33: {  	s16 =	sand.u32 @!p1 $0x2000, s16;
	s17 =	sadd.s32 @!p1 s18, s17;
	s18 =	simm.s32 @!p1 $0x40  }
0x34: {  	[tilespmem:s16], [sflag:$0x1] =	stream.strided.gather @!p1 [hbm4b:s17+s18], $0x2000, s19, s18, $0x38;
	[tilespmem:$0x8080] =	vst v63  }
0x35: {  	p1 =	sge.u32 s31, s6  }
.Ltmp2:
0x36: {  	_ = 	snop;
	(pc) =	sbr.rel @p1 .LBB1_5-.Ltmp2, $1  }
0x37: {  	_ =	sdelay $0x3  }
0x38: {  	s16 =	simm.s32 $0x1  }
0x39: {  	_ =	swait.ge [sflag:s4], $0x2000;
	s16 =	simm.s32 @!p0 $0x0  }
0x3a: {  	[sflag:s4] =	ssyncset.done $0x0;
	s17 =	sshll.u32 s16, $0xD  }
0x3b: {  	[sflag:s4] =	ssyncadd.s32 $0xFFFFE000;
	s20 =	sor.u32 $0x20, s17  }
0x3c: {  	s16 =	smul.u32 $0x8100, s16;
	v3 =	vld [tilespmem:s20+$0x10]  }
0x3d: {  	s30 =	sand.u32 $0x1, s13;
	v2 =	vld [tilespmem:s20+$0xFFFFFFF0]  }
0x3e: {  	s17 =	smul.u32 $0x8100, s30;
	s16 =	sshrl.u32 s16, $0x2;
	v0 =	vld [tilespmem:s20+$0x0]  }
0x3f: {  	v1 =	vld [tilespmem:s20+$0xFFFFFFE0];
	s18 =	sor.u32 $0x4000, s16  }
0x40: {  	s31 =	sshrl.u32 s17, $0x2;
	s17 =	sadd.s32 $0x0, s18  }
0x41: {  	s19 =	simm.s32 $0x4;
	s20 =	sadd.s32 $0x40, s20;
	s16 =	sor.u32 $0x4000, s31;
	[tilespmem:s17+$0x1830 ss:$0x81] =	vst.msk $0xffff, v3  }
.LBB1_3:
0x42: {  	v3 =	vld [tilespmem:s20+$0x10];
	p1 =	sne.s32 s19, $0x1FC;
	[tilespmem:s17+$0x810 ss:$0x81] =	vst.msk $0xffff, v2;
	s21 =	smov.u32 s19;
	s19 =	sadd.s32 $0x4, s19  }
.Ltmp3:
0x43: {  	v2 =	vld [tilespmem:s20+$0xFFFFFFF0];
	[tilespmem:s17+$0x1020 ss:$0x81] =	vst.msk $0xffff, v0;
	(pc) =	sbr.rel @p1 .LBB1_3-.Ltmp3, $4  }
0x44: {  	v0 =	vld [tilespmem:s20+$0x0];
	[tilespmem:s17+$0x0 ss:$0x81] =	vst.msk $0xffff, v1  }
0x45: {  	s17 =	sshra.s32 s21, $0x2;
	v1 =	vld [tilespmem:s20+$0xFFFFFFE0]  }
0x46: {  	s17 =	sadd.s32 s17, s18  }
0x47: {  	s20 =	sadd.s32 $0x40, s20;
	[tilespmem:s17+$0x1830 ss:$0x81] =	vst.msk $0xffff, v3  }
.Ltmp4:
0x48: {  	_ = 	snop;
	(pc) =	sbr.rel .LBB1_4-.Ltmp4, $1  }
0x49: {  	_ =	sdelay $0x3  }
.LBB1_6:
0x4a: {  	_ =	sfence.sel $0x180000  }
0x4b: {  	s2 =	simm.s32 $0x1;
	[bflag:$0x0] =	sbarrier.arrive $0xFFFF  }
0x4c: {  	s31 =	simm.s32 $0x2;
	[sflag:s2] =	ssyncpa.u1 $0x1  }
0x4d: {  	[sflag:s31] =	ssyncpa.u1 $0x1  }
0x4e: {  	p0 =	sne.s32 s0, $0x0;
	_ =	strace $0x9000004A  }
0x4f: {  	s0 =	sadd.s32 @!p0 $0x100000, s1;
	[bflag:$0x2] =	sbarrier.arrive $0xFFFF  }
0x50: {  	[sflag:s0] =	ssyncadd.tile.s32 @!p0 $0x1;
	_ =	shalt  }
.Lfunc_end1:
_tile_overlayer_lowered:
.L_overlay_start_2:
0x51: {  	(tag) =	ssettag $0x2  }
0x52: {  	s0 =	rddreg [dreg:$0x0];
	s2 =	stileid.u32  }
0x53: {  	s1 =	rddreg [dreg:$0x1];
	p0 =	sne.s32 s2, $0x0  }
0x54: {  	s3 =	rddreg [dreg:$0x2];
	[bflag:$0x3] =	sbarrier.arrive $0xFFFF;
	s2 =	simm.s32 @!p0 $0x1C01  }
0x55: {  	[timem:s3], [sflag:s2] =	dma.local @!p0 [hbm:s0], s1  }
0x56: {  	s0 =	simm.s32 @!p0 $0x1  }
0x57: {  	_ =	swait.ge @!p0 [sflag:s0], s1  }
0x58: {  	s1 =	ssub.s32 @!p0 $0x0, s1;
	[sflag:s0] =	ssyncset.done @!p0 $0x0  }
0x59: {  	[sflag:s0] =	ssyncadd.s32 @!p0 s1  }
0x5a: {  	[bflag:$0x3] =	sbarrier.arrive $0xFFFF  }
0x5b: {  	_ =	shalt  }

</sc_bundles>
